<compile_context>
chip_gen: v7x
topology: tpu7x:2x2x1
jax: 0.10.2.dev20260603
libtpu: 0.0.44.dev20260713+nightly
codegen_flags: <defaults>
</compile_context>

<pallas_src>
import jax
import jax.numpy as jnp
from jax import lax
from jax.experimental import pallas as pl
from jax.experimental.pallas import tpu as pltpu
from jax.experimental.pallas import tpu_sc as plsc

D_MODEL = 128
NUM_WORKERS = 32
NUM_SUBCORES = 16
CHUNK = 128
DEPTH = 5
PE_ROWS = 512
PE_PIECE = PE_ROWS // NUM_SUBCORES


def _body(x_hbm, idx_hbm, pe_hbm, out_hbm,
          b0, b1, b2, b3, b4, idxbuf, pe_sh,
          seml, semg, sems):
    bufs = (b0, b1, b2, b3, b4)
    n_rows = x_hbm.shape[0]
    rows_per_worker = n_rows // NUM_WORKERS
    n_chunks = rows_per_worker // CHUNK
    sid = lax.axis_index("s")
    wid = sid * 2 + lax.axis_index("c")
    base = wid * rows_per_worker

    def load_slice(g):
        return x_hbm.at[pl.ds(base + g * CHUNK, CHUNK), :]

    def out_slice(g):
        return out_hbm.at[pl.ds(base + g * CHUNK, CHUNK), :]

    def start_load(g, s):
        pltpu.async_copy(load_slice(g), bufs[s], seml.at[s])

    def wait_load(g, s):
        pltpu.make_async_copy(load_slice(g), bufs[s], seml.at[s]).wait()

    def start_gather_add(g, s):
        pltpu.async_copy(pe_sh.at[idxbuf.at[g]], bufs[s], semg.at[s],
                         add=True)

    def wait_gather_add(g, s):
        pltpu.make_async_copy(pe_sh.at[idxbuf.at[g]], bufs[s],
                              semg.at[s]).wait()

    def start_store(g, s):
        pltpu.async_copy(bufs[s], out_slice(g), sems.at[s])

    def wait_store(g, s):
        pltpu.make_async_copy(bufs[s], out_slice(g), sems.at[s]).wait()

    pe_stage = b0.at[pl.ds(0, PE_PIECE), :]
    pltpu.sync_copy(pe_hbm.at[pl.ds(sid * PE_PIECE, PE_PIECE), :], pe_stage)
    pltpu.sync_copy(pe_stage, pe_sh.at[pl.ds(sid * PE_PIECE, PE_PIECE), :])
    plsc.subcore_barrier()

    pltpu.sync_copy(idx_hbm.at[pl.ds(wid * n_chunks, n_chunks), :], idxbuf)

    start_load(0, 0)
    start_load(1, 1)

    def step(i, carry):
        for s in range(DEPTH):
            g = i * DEPTH + s

            wait_load(g, s)
            start_gather_add(g, s)

            sp = (s - 1) % DEPTH

            @pl.when(g >= 1)
            def _():
                wait_gather_add(g - 1, sp)
                start_store(g - 1, sp)

            so = (s - 3) % DEPTH

            @pl.when(g >= 3)
            def _():
                wait_store(g - 3, so)

            @pl.when(g + 2 < n_chunks)
            def _():
                start_load(g + 2, (s + 2) % DEPTH)

        return carry

    lax.fori_loop(0, n_chunks // DEPTH, step, 0)

    gl = n_chunks - 1
    wait_gather_add(gl, gl % DEPTH)
    start_store(gl, gl % DEPTH)
    for g in range(n_chunks - 3, n_chunks):
        wait_store(g, g % DEPTH)


def kernel(x, frame_indices, pe):
    b, l, d = x.shape
    n = b * l
    x2 = x.reshape(n, d)
    idx2 = frame_indices.astype(jnp.int32).reshape(n // CHUNK, CHUNK)
    pe_pad = jnp.pad(pe, ((0, PE_ROWS - pe.shape[0]), (0, 0)))
    n_chunks = (n // NUM_WORKERS) // CHUNK

    mesh = plsc.VectorSubcoreMesh(core_axis_name="c", subcore_axis_name="s")
    run = pl.kernel(
        _body,
        out_type=jax.ShapeDtypeStruct((n, d), jnp.float32),
        mesh=mesh,
        scratch_types=(
            [pltpu.VMEM((CHUNK, D_MODEL), jnp.float32) for _ in range(DEPTH)]
            + [pltpu.VMEM((n_chunks, CHUNK), jnp.int32)]
            + [pltpu.VMEM_SHARED((PE_ROWS, D_MODEL), jnp.float32)]
            + [pltpu.SemaphoreType.DMA((DEPTH,)),
               pltpu.SemaphoreType.DMA((DEPTH,)),
               pltpu.SemaphoreType.DMA((DEPTH,))]
        ),
    )
    out = run(x2, idx2, pe_pad)
    return out.reshape(b, l, d)

# --- scband reference (transcript-rebuilt; emitter-appended) ---
"""Pipeline reference for scband-frame-positional-embedding-34763465294083 (READ-ONLY COPY).

The authoritative reference and input builder live on the scoring server;
editing this copy changes nothing except your own understanding.
"""

import jax, jax.numpy as jnp
import numpy as np

D_MODEL = 128
MAX_FRAMES = 500

def _build_pe(max_frames, d_model):
    position = np.arange(max_frames, dtype=np.float32)[:, None]
    div_term = np.exp(np.arange(0, d_model, 2, dtype=np.float32) * -(np.log(10000.0) / d_model))
    pe = np.zeros((max_frames, d_model), dtype=np.float32)
    pe[:, 0::2] = np.sin(position * div_term)
    pe[:, 1::2] = np.cos(position * div_term)
    return jnp.asarray(pe)

def setup_inputs(seed: int = 0) -> dict:
    key = jax.random.key(seed)
    k1, k2 = jax.random.split(key)
    x = jax.random.normal(k1, (4096, 200, D_MODEL), dtype=jnp.float32)
    frame_indices = jax.random.randint(k2, (4096, 200), 0, MAX_FRAMES, dtype=jnp.int64 if jax.config.jax_enable_x64 else jnp.int32)
    pe = _build_pe(MAX_FRAMES, D_MODEL)
    return {"x": x, "frame_indices": frame_indices, "pe": pe}

def reference(x, frame_indices, pe):
    # Faithful translation of forward (dropout in eval mode -> identity)
    pe_gathered = jnp.take(pe, frame_indices, axis=0)  # [B, L, d_model]
    out = x + pe_gathered
    return out

if __name__ == "__main__":
    import jax
    _d = setup_inputs()
    print(jax.jit(kernel)(*tuple(_d.values())))

</pallas_src>

<mosaic_0001>
#map = affine_map<(d0, d1) -> (0, 0)>
module attributes {stable_mosaic.version = 14 : i64} {
  func.func @_body(%arg0: i32, %arg1: i32, %arg2: memref<819200x128xf32, #tpu.memory_space<hbm>>, %arg3: memref<6400x128xi32, #tpu.memory_space<hbm>>, %arg4: memref<512x128xf32, #tpu.memory_space<hbm>>, %arg5: memref<819200x128xf32, #tpu.memory_space<hbm>>, %arg6: memref<128x128xf32, #tpu.memory_space<vmem>>, %arg7: memref<128x128xf32, #tpu.memory_space<vmem>>, %arg8: memref<128x128xf32, #tpu.memory_space<vmem>>, %arg9: memref<128x128xf32, #tpu.memory_space<vmem>>, %arg10: memref<128x128xf32, #tpu.memory_space<vmem>>, %arg11: memref<200x128xi32, #tpu.memory_space<vmem>>, %arg12: memref<512x128xf32, #tpu.memory_space<vmem_shared>>, %arg13: memref<5x!tpu.dma_semaphore, #tpu.memory_space<semaphore_mem>>, %arg14: memref<5x!tpu.dma_semaphore, #tpu.memory_space<semaphore_mem>>, %arg15: memref<5x!tpu.dma_semaphore, #tpu.memory_space<semaphore_mem>>) attributes {dimension_semantics = [#tpu.dimension_semantics<core_parallel>, #tpu.dimension_semantics<subcore_parallel>], iteration_bounds = array<i64: 2, 16>, scalar_prefetch = 0 : i64, scratch_operands = 10 : i64, tpu.core_type = #tpu.core_type<sc_vector_subcore>, window_params = [{transform_indices = #map}, {transform_indices = #map}, {transform_indices = #map}, {transform_indices = #map}]} {
    %mul3A = arith.constant 2 : i32
    %mul3A_0 = arith.muli %arg1, %mul3A : i32
    %add3A = arith.addi %mul3A_0, %arg0 : i32
    %mul3A_1 = arith.constant 25600 : i32
    %mul3A_2 = arith.muli %add3A, %mul3A_1 : i32
    %mul3A_3 = arith.constant 32 : i32
    %mul3A_4 = arith.muli %arg1, %mul3A_3 : i32
    "tpu.region"() ({
      %run_scoped3A = tpu.sem_alloc : memref<!tpu.dma_semaphore, #tpu.memory_space<semaphore_mem>>
      %dma_start3A_76 = arith.constant 0 : i32
      %dma_start3A_77 = arith.constant 0 : i32
      %dma_start3A_78 = tpu.memref_slice %arg6[%dma_start3A_76, %dma_start3A_77] : memref<128x128xf32, #tpu.memory_space<vmem>> -> memref<32x128xf32, #tpu.memory_space<vmem>>
      %dma_start3A_79 = arith.constant 0 : i32
      %dma_start3A_80 = tpu.memref_slice %arg4[%mul3A_4, %dma_start3A_79] : memref<512x128xf32, #tpu.memory_space<hbm>> -> memref<32x128xf32, #tpu.memory_space<hbm>>
      %dma_start3A_81 = arith.constant 0 : i32
      %dma_start3A_82 = arith.constant 0 : i32
      %dma_start3A_83 = tpu.memref_slice %arg6[%dma_start3A_81, %dma_start3A_82] : memref<128x128xf32, #tpu.memory_space<vmem>> -> memref<32x128xf32, #tpu.memory_space<vmem>>
      %dma_start3A_84 = arith.constant 0 : i32
      %dma_start3A_85 = tpu.memref_slice %arg4[%mul3A_4, %dma_start3A_84] : memref<512x128xf32, #tpu.memory_space<hbm>> -> memref<32x128xf32, #tpu.memory_space<hbm>>
      tpu.enqueue_dma source(%dma_start3A_85 : memref<32x128xf32, #tpu.memory_space<hbm>>) target(%dma_start3A_83 : memref<32x128xf32, #tpu.memory_space<vmem>>) target_semaphore(%run_scoped3A : memref<!tpu.dma_semaphore, #tpu.memory_space<semaphore_mem>>)
      %dma_wait3A_86 = arith.constant 0 : i32
      %dma_wait3A_87 = arith.constant 0 : i32
      %dma_wait3A_88 = tpu.memref_slice %arg6[%dma_wait3A_86, %dma_wait3A_87] : memref<128x128xf32, #tpu.memory_space<vmem>> -> memref<32x128xf32, #tpu.memory_space<vmem>>
      %dma_wait3A_89 = arith.constant 0 : i32
      %dma_wait3A_90 = tpu.memref_slice %arg4[%mul3A_4, %dma_wait3A_89] : memref<512x128xf32, #tpu.memory_space<hbm>> -> memref<32x128xf32, #tpu.memory_space<hbm>>
      %dma_wait3A_91 = arith.constant 0 : i32
      %dma_wait3A_92 = arith.constant 0 : i32
      %dma_wait3A_93 = tpu.memref_slice %arg6[%dma_wait3A_91, %dma_wait3A_92] : memref<128x128xf32, #tpu.memory_space<vmem>> -> memref<32x128xf32, #tpu.memory_space<vmem>>
      %dma_wait3A_94 = arith.constant 0 : i32
      %dma_wait3A_95 = tpu.memref_slice %arg4[%mul3A_4, %dma_wait3A_94] : memref<512x128xf32, #tpu.memory_space<hbm>> -> memref<32x128xf32, #tpu.memory_space<hbm>>
      tpu.wait_dma2 semaphore(%run_scoped3A : memref<!tpu.dma_semaphore, #tpu.memory_space<semaphore_mem>>) src(%dma_wait3A_95 : memref<32x128xf32, #tpu.memory_space<hbm>>) dst(%dma_wait3A_93 : memref<32x128xf32, #tpu.memory_space<vmem>>)
      tpu.yield
    }) : () -> ()
    %mul3A_5 = arith.constant 32 : i32
    %mul3A_6 = arith.muli %arg1, %mul3A_5 : i32
    "tpu.region"() ({
      %run_scoped3A = tpu.sem_alloc : memref<!tpu.dma_semaphore, #tpu.memory_space<semaphore_mem>>
      %dma_start3A_76 = arith.constant 0 : i32
      %dma_start3A_77 = arith.constant 0 : i32
      %dma_start3A_78 = tpu.memref_slice %arg6[%dma_start3A_76, %dma_start3A_77] : memref<128x128xf32, #tpu.memory_space<vmem>> -> memref<32x128xf32, #tpu.memory_space<vmem>>
      %dma_start3A_79 = arith.constant 0 : i32
      %dma_start3A_80 = tpu.memref_slice %arg12[%mul3A_6, %dma_start3A_79] : memref<512x128xf32, #tpu.memory_space<vmem_shared>> -> memref<32x128xf32, #tpu.memory_space<vmem_shared>>
      %dma_start3A_81 = arith.constant 0 : i32
      %dma_start3A_82 = tpu.memref_slice %arg12[%mul3A_6, %dma_start3A_81] : memref<512x128xf32, #tpu.memory_space<vmem_shared>> -> memref<32x128xf32, #tpu.memory_space<vmem_shared>>
      %dma_start3A_83 = arith.constant 0 : i32
      %dma_start3A_84 = arith.constant 0 : i32
      %dma_start3A_85 = tpu.memref_slice %arg6[%dma_start3A_83, %dma_start3A_84] : memref<128x128xf32, #tpu.memory_space<vmem>> -> memref<32x128xf32, #tpu.memory_space<vmem>>
      tpu.enqueue_dma source(%dma_start3A_85 : memref<32x128xf32, #tpu.memory_space<vmem>>) target(%dma_start3A_82 : memref<32x128xf32, #tpu.memory_space<vmem_shared>>) target_semaphore(%run_scoped3A : memref<!tpu.dma_semaphore, #tpu.memory_space<semaphore_mem>>)
      %dma_wait3A_86 = arith.constant 0 : i32
      %dma_wait3A_87 = arith.constant 0 : i32
      %dma_wait3A_88 = tpu.memref_slice %arg6[%dma_wait3A_86, %dma_wait3A_87] : memref<128x128xf32, #tpu.memory_space<vmem>> -> memref<32x128xf32, #tpu.memory_space<vmem>>
      %dma_wait3A_89 = arith.constant 0 : i32
      %dma_wait3A_90 = tpu.memref_slice %arg12[%mul3A_6, %dma_wait3A_89] : memref<512x128xf32, #tpu.memory_space<vmem_shared>> -> memref<32x128xf32, #tpu.memory_space<vmem_shared>>
      %dma_wait3A_91 = arith.constant 0 : i32
      %dma_wait3A_92 = tpu.memref_slice %arg12[%mul3A_6, %dma_wait3A_91] : memref<512x128xf32, #tpu.memory_space<vmem_shared>> -> memref<32x128xf32, #tpu.memory_space<vmem_shared>>
      %dma_wait3A_93 = arith.constant 0 : i32
      %dma_wait3A_94 = arith.constant 0 : i32
      %dma_wait3A_95 = tpu.memref_slice %arg6[%dma_wait3A_93, %dma_wait3A_94] : memref<128x128xf32, #tpu.memory_space<vmem>> -> memref<32x128xf32, #tpu.memory_space<vmem>>
      tpu.wait_dma2 semaphore(%run_scoped3A : memref<!tpu.dma_semaphore, #tpu.memory_space<semaphore_mem>>) src(%dma_wait3A_95 : memref<32x128xf32, #tpu.memory_space<vmem>>) dst(%dma_wait3A_92 : memref<32x128xf32, #tpu.memory_space<vmem_shared>>)
      tpu.yield
    }) : () -> ()
    %barrier3A = arith.constant 0 : index
    tpu.barrier barrier_id(%barrier3A)
    %mul3A_7 = arith.constant 200 : i32
    %mul3A_8 = arith.muli %add3A, %mul3A_7 : i32
    "tpu.region"() ({
      %run_scoped3A = tpu.sem_alloc : memref<!tpu.dma_semaphore, #tpu.memory_space<semaphore_mem>>
      %dma_start3A_76 = arith.constant 0 : i32
      %dma_start3A_77 = tpu.memref_slice %arg3[%mul3A_8, %dma_start3A_76] : memref<6400x128xi32, #tpu.memory_space<hbm>> -> memref<200x128xi32, #tpu.memory_space<hbm>>
      %dma_start3A_78 = arith.constant 0 : i32
      %dma_start3A_79 = tpu.memref_slice %arg3[%mul3A_8, %dma_start3A_78] : memref<6400x128xi32, #tpu.memory_space<hbm>> -> memref<200x128xi32, #tpu.memory_space<hbm>>
      tpu.enqueue_dma source(%dma_start3A_79 : memref<200x128xi32, #tpu.memory_space<hbm>>) target(%arg11 : memref<200x128xi32, #tpu.memory_space<vmem>>) target_semaphore(%run_scoped3A : memref<!tpu.dma_semaphore, #tpu.memory_space<semaphore_mem>>)
      %dma_wait3A_80 = arith.constant 0 : i32
      %dma_wait3A_81 = tpu.memref_slice %arg3[%mul3A_8, %dma_wait3A_80] : memref<6400x128xi32, #tpu.memory_space<hbm>> -> memref<200x128xi32, #tpu.memory_space<hbm>>
      %dma_wait3A_82 = arith.constant 0 : i32
      %dma_wait3A_83 = tpu.memref_slice %arg3[%mul3A_8, %dma_wait3A_82] : memref<6400x128xi32, #tpu.memory_space<hbm>> -> memref<200x128xi32, #tpu.memory_space<hbm>>
      tpu.wait_dma2 semaphore(%run_scoped3A : memref<!tpu.dma_semaphore, #tpu.memory_space<semaphore_mem>>) src(%dma_wait3A_83 : memref<200x128xi32, #tpu.memory_space<hbm>>) dst(%arg11 : memref<200x128xi32, #tpu.memory_space<vmem>>)
      tpu.yield
    }) : () -> ()
    %add3A_9 = arith.constant 0 : i32
    %add3A_10 = arith.addi %mul3A_2, %add3A_9 : i32
    %dma_start3A = arith.constant 0 : i32
    %dma_start3A_11 = arith.constant 0 : i32
    %dma_start3A_12 = tpu.memref_slice %arg2[%add3A_10, %dma_start3A_11] : memref<819200x128xf32, #tpu.memory_space<hbm>> -> memref<128x128xf32, #tpu.memory_space<hbm>>
    %dma_start3A_13 = tpu.memref_slice %arg13[%dma_start3A] : memref<5x!tpu.dma_semaphore, #tpu.memory_space<semaphore_mem>> -> memref<1x!tpu.dma_semaphore, #tpu.memory_space<semaphore_mem>>
    %dma_start3A_14 = tpu.memref_squeeze %dma_start3A_13 : memref<1x!tpu.dma_semaphore, #tpu.memory_space<semaphore_mem>> -> memref<!tpu.dma_semaphore, #tpu.memory_space<semaphore_mem>>
    %dma_start3A_15 = arith.constant 0 : i32
    %dma_start3A_16 = tpu.memref_slice %arg2[%add3A_10, %dma_start3A_15] : memref<819200x128xf32, #tpu.memory_space<hbm>> -> memref<128x128xf32, #tpu.memory_space<hbm>>
    tpu.enqueue_dma source(%dma_start3A_16 : memref<128x128xf32, #tpu.memory_space<hbm>>) target(%arg6 : memref<128x128xf32, #tpu.memory_space<vmem>>) target_semaphore(%dma_start3A_14 : memref<!tpu.dma_semaphore, #tpu.memory_space<semaphore_mem>>)
    %add3A_17 = arith.constant 128 : i32
    %add3A_18 = arith.addi %mul3A_2, %add3A_17 : i32
    %dma_start3A_19 = arith.constant 1 : i32
    %dma_start3A_20 = arith.constant 0 : i32
    %dma_start3A_21 = tpu.memref_slice %arg2[%add3A_18, %dma_start3A_20] : memref<819200x128xf32, #tpu.memory_space<hbm>> -> memref<128x128xf32, #tpu.memory_space<hbm>>
    %dma_start3A_22 = tpu.memref_slice %arg13[%dma_start3A_19] : memref<5x!tpu.dma_semaphore, #tpu.memory_space<semaphore_mem>> -> memref<1x!tpu.dma_semaphore, #tpu.memory_space<semaphore_mem>>
    %dma_start3A_23 = tpu.memref_squeeze %dma_start3A_22 : memref<1x!tpu.dma_semaphore, #tpu.memory_space<semaphore_mem>> -> memref<!tpu.dma_semaphore, #tpu.memory_space<semaphore_mem>>
    %dma_start3A_24 = arith.constant 0 : i32
    %dma_start3A_25 = tpu.memref_slice %arg2[%add3A_18, %dma_start3A_24] : memref<819200x128xf32, #tpu.memory_space<hbm>> -> memref<128x128xf32, #tpu.memory_space<hbm>>
    tpu.enqueue_dma source(%dma_start3A_25 : memref<128x128xf32, #tpu.memory_space<hbm>>) target(%arg7 : memref<128x128xf32, #tpu.memory_space<vmem>>) target_semaphore(%dma_start3A_23 : memref<!tpu.dma_semaphore, #tpu.memory_space<semaphore_mem>>)
    %scan3A = arith.constant 0 : i32
    %scan3A_26 = arith.constant 0 : i32
    %scan3A_27 = arith.constant 40 : i32
    %scan3A_28 = arith.addi %scan3A_26, %scan3A_27 : i32
    %scan3A_29 = arith.constant 1 : i32
    scf.for %scan3A_76 = %scan3A_26 to %scan3A_28 step %scan3A_29  : i32 {
      %mul3A_77 = arith.constant 5 : i32
      %mul3A_78 = arith.muli %scan3A_76, %mul3A_77 : i32
      %add3A_79 = arith.constant 0 : i32
      %add3A_80 = arith.addi %mul3A_78, %add3A_79 : i32
      %mul3A_81 = arith.constant 128 : i32
      %mul3A_82 = arith.muli %add3A_80, %mul3A_81 : i32
      %add3A_83 = arith.addi %mul3A_2, %mul3A_82 : i32
      %dma_wait3A_84 = arith.constant 0 : i32
      %dma_wait3A_85 = arith.constant 0 : i32
      %dma_wait3A_86 = tpu.memref_slice %arg2[%add3A_83, %dma_wait3A_85] : memref<819200x128xf32, #tpu.memory_space<hbm>> -> memref<128x128xf32, #tpu.memory_space<hbm>>
      %dma_wait3A_87 = tpu.memref_slice %arg13[%dma_wait3A_84] : memref<5x!tpu.dma_semaphore, #tpu.memory_space<semaphore_mem>> -> memref<1x!tpu.dma_semaphore, #tpu.memory_space<semaphore_mem>>
      %dma_wait3A_88 = tpu.memref_squeeze %dma_wait3A_87 : memref<1x!tpu.dma_semaphore, #tpu.memory_space<semaphore_mem>> -> memref<!tpu.dma_semaphore, #tpu.memory_space<semaphore_mem>>
      %dma_wait3A_89 = arith.constant 0 : i32
      %dma_wait3A_90 = tpu.memref_slice %arg2[%add3A_83, %dma_wait3A_89] : memref<819200x128xf32, #tpu.memory_space<hbm>> -> memref<128x128xf32, #tpu.memory_space<hbm>>
      tpu.wait_dma2 semaphore(%dma_wait3A_88 : memref<!tpu.dma_semaphore, #tpu.memory_space<semaphore_mem>>) src(%dma_wait3A_90 : memref<128x128xf32, #tpu.memory_space<hbm>>) dst(%arg6 : memref<128x128xf32, #tpu.memory_space<vmem>>)
      %dma_start3A_91 = arith.constant 0 : i32
      %dma_start3A_92 = arith.constant 0 : i32
      %dma_start3A_93 = tpu.memref_slice %arg11[%add3A_80, %dma_start3A_92] : memref<200x128xi32, #tpu.memory_space<vmem>> -> memref<1x128xi32, #tpu.memory_space<vmem>>
      %dma_start3A_94 = tpu.memref_squeeze %dma_start3A_93 : memref<1x128xi32, #tpu.memory_space<vmem>> -> memref<128xi32, #tpu.memory_space<vmem>>
      %dma_start3A_95 = arith.constant 0 : i32
      %dma_start3A_96 = arith.constant 0 : i32
      %dma_start3A_97 = tpu.memref_slice %arg12[%dma_start3A_95, %dma_start3A_96] : memref<512x128xf32, #tpu.memory_space<vmem_shared>> -> memref<512x128xf32, #tpu.memory_space<vmem_shared>>
      %dma_start3A_98 = tpu.memref_slice %arg14[%dma_start3A_91] : memref<5x!tpu.dma_semaphore, #tpu.memory_space<semaphore_mem>> -> memref<1x!tpu.dma_semaphore, #tpu.memory_space<semaphore_mem>>
      %dma_start3A_99 = tpu.memref_squeeze %dma_start3A_98 : memref<1x!tpu.dma_semaphore, #tpu.memory_space<semaphore_mem>> -> memref<!tpu.dma_semaphore, #tpu.memory_space<semaphore_mem>>
      tpu.enqueue_indirect_dma source(%dma_start3A_97 : memref<512x128xf32, #tpu.memory_space<vmem_shared>>) target(%arg6 : memref<128x128xf32, #tpu.memory_space<vmem>>) offsets(%dma_start3A_94 : memref<128xi32, #tpu.memory_space<vmem>>) semaphore(%dma_start3A_99 : memref<!tpu.dma_semaphore, #tpu.memory_space<semaphore_mem>>) {add = true}
      %ge3A = arith.constant 1 : i32
      %ge3A_100 = arith.cmpi sge, %add3A_80, %ge3A : i32
      %convert_element_type3A = arith.extui %ge3A_100 : i1 to i32
      %cond3A = arith.constant 0 : i32
      %cond3A_101 = arith.cmpi ne, %convert_element_type3A, %cond3A : i32
      scf.if %cond3A_101 {
        %sub3A = arith.constant 1 : i32
        %sub3A_273 = arith.subi %add3A_80, %sub3A : i32
        %dma_wait3A_274 = arith.constant 4 : i32
        %dma_wait3A_275 = arith.constant 0 : i32
        %dma_wait3A_276 = tpu.memref_slice %arg11[%sub3A_273, %dma_wait3A_275] : memref<200x128xi32, #tpu.memory_space<vmem>> -> memref<1x128xi32, #tpu.memory_space<vmem>>
        %dma_wait3A_277 = tpu.memref_squeeze %dma_wait3A_276 : memref<1x128xi32, #tpu.memory_space<vmem>> -> memref<128xi32, #tpu.memory_space<vmem>>
        %dma_wait3A_278 = arith.constant 0 : i32
        %dma_wait3A_279 = arith.constant 0 : i32
        %dma_wait3A_280 = tpu.memref_slice %arg12[%dma_wait3A_278, %dma_wait3A_279] : memref<512x128xf32, #tpu.memory_space<vmem_shared>> -> memref<512x128xf32, #tpu.memory_space<vmem_shared>>
        %dma_wait3A_281 = tpu.memref_slice %arg14[%dma_wait3A_274] : memref<5x!tpu.dma_semaphore, #tpu.memory_space<semaphore_mem>> -> memref<1x!tpu.dma_semaphore, #tpu.memory_space<semaphore_mem>>
        %dma_wait3A_282 = tpu.memref_squeeze %dma_wait3A_281 : memref<1x!tpu.dma_semaphore, #tpu.memory_space<semaphore_mem>> -> memref<!tpu.dma_semaphore, #tpu.memory_space<semaphore_mem>>
        tpu.wait_indirect_dma semaphore(%dma_wait3A_282 : memref<!tpu.dma_semaphore, #tpu.memory_space<semaphore_mem>>) src(%dma_wait3A_280 : memref<512x128xf32, #tpu.memory_space<vmem_shared>>) dst(%arg10 : memref<128x128xf32, #tpu.memory_space<vmem>>)
        %sub3A_283 = arith.constant 1 : i32
        %sub3A_284 = arith.subi %add3A_80, %sub3A_283 : i32
        %mul3A_285 = arith.constant 128 : i32
        %mul3A_286 = arith.muli %sub3A_284, %mul3A_285 : i32
        %add3A_287 = arith.addi %mul3A_2, %mul3A_286 : i32
        %dma_start3A_288 = arith.constant 4 : i32
        %dma_start3A_289 = arith.constant 0 : i32
        %dma_start3A_290 = tpu.memref_slice %arg5[%add3A_287, %dma_start3A_289] : memref<819200x128xf32, #tpu.memory_space<hbm>> -> memref<128x128xf32, #tpu.memory_space<hbm>>
        %dma_start3A_291 = tpu.memref_slice %arg15[%dma_start3A_288] : memref<5x!tpu.dma_semaphore, #tpu.memory_space<semaphore_mem>> -> memref<1x!tpu.dma_semaphore, #tpu.memory_space<semaphore_mem>>
        %dma_start3A_292 = tpu.memref_squeeze %dma_start3A_291 : memref<1x!tpu.dma_semaphore, #tpu.memory_space<semaphore_mem>> -> memref<!tpu.dma_semaphore, #tpu.memory_space<semaphore_mem>>
        %dma_start3A_293 = arith.constant 0 : i32
        %dma_start3A_294 = tpu.memref_slice %arg5[%add3A_287, %dma_start3A_293] : memref<819200x128xf32, #tpu.memory_space<hbm>> -> memref<128x128xf32, #tpu.memory_space<hbm>>
        tpu.enqueue_dma source(%arg10 : memref<128x128xf32, #tpu.memory_space<vmem>>) target(%dma_start3A_294 : memref<128x128xf32, #tpu.memory_space<hbm>>) target_semaphore(%dma_start3A_292 : memref<!tpu.dma_semaphore, #tpu.memory_space<semaphore_mem>>)
      } else {
      }
      %ge3A_102 = arith.constant 3 : i32
      %ge3A_103 = arith.cmpi sge, %add3A_80, %ge3A_102 : i32
      %convert_element_type3A_104 = arith.extui %ge3A_103 : i1 to i32
      %cond3A_105 = arith.constant 0 : i32
      %cond3A_106 = arith.cmpi ne, %convert_element_type3A_104, %cond3A_105 : i32
      scf.if %cond3A_106 {
        %sub3A = arith.constant 3 : i32
        %sub3A_273 = arith.subi %add3A_80, %sub3A : i32
        %mul3A_274 = arith.constant 128 : i32
        %mul3A_275 = arith.muli %sub3A_273, %mul3A_274 : i32
        %add3A_276 = arith.addi %mul3A_2, %mul3A_275 : i32
        %dma_wait3A_277 = arith.constant 2 : i32
        %dma_wait3A_278 = arith.constant 0 : i32
        %dma_wait3A_279 = tpu.memref_slice %arg5[%add3A_276, %dma_wait3A_278] : memref<819200x128xf32, #tpu.memory_space<hbm>> -> memref<128x128xf32, #tpu.memory_space<hbm>>
        %dma_wait3A_280 = tpu.memref_slice %arg15[%dma_wait3A_277] : memref<5x!tpu.dma_semaphore, #tpu.memory_space<semaphore_mem>> -> memref<1x!tpu.dma_semaphore, #tpu.memory_space<semaphore_mem>>
        %dma_wait3A_281 = tpu.memref_squeeze %dma_wait3A_280 : memref<1x!tpu.dma_semaphore, #tpu.memory_space<semaphore_mem>> -> memref<!tpu.dma_semaphore, #tpu.memory_space<semaphore_mem>>
        %dma_wait3A_282 = arith.constant 0 : i32
        %dma_wait3A_283 = tpu.memref_slice %arg5[%add3A_276, %dma_wait3A_282] : memref<819200x128xf32, #tpu.memory_space<hbm>> -> memref<128x128xf32, #tpu.memory_space<hbm>>
        tpu.wait_dma2 semaphore(%dma_wait3A_281 : memref<!tpu.dma_semaphore, #tpu.memory_space<semaphore_mem>>) src(%arg8 : memref<128x128xf32, #tpu.memory_space<vmem>>) dst(%dma_wait3A_283 : memref<128x128xf32, #tpu.memory_space<hbm>>)
      } else {
      }
      %add3A_107 = arith.constant 2 : i32
      %add3A_108 = arith.addi %add3A_80, %add3A_107 : i32
      %lt3A = arith.constant 200 : i32
      %lt3A_109 = arith.cmpi slt, %add3A_108, %lt3A : i32
      %convert_element_type3A_110 = arith.extui %lt3A_109 : i1 to i32
      %cond3A_111 = arith.constant 0 : i32
      %cond3A_112 = arith.cmpi ne, %convert_element_type3A_110, %cond3A_111 : i32
      scf.if %cond3A_112 {
        %add3A_273 = arith.constant 2 : i32
        %add3A_274 = arith.addi %add3A_80, %add3A_273 : i32
        %mul3A_275 = arith.constant 128 : i32
        %mul3A_276 = arith.muli %add3A_274, %mul3A_275 : i32
        %add3A_277 = arith.addi %mul3A_2, %mul3A_276 : i32
        %dma_start3A_278 = arith.constant 2 : i32
        %dma_start3A_279 = arith.constant 0 : i32
        %dma_start3A_280 = tpu.memref_slice %arg2[%add3A_277, %dma_start3A_279] : memref<819200x128xf32, #tpu.memory_space<hbm>> -> memref<128x128xf32, #tpu.memory_space<hbm>>
        %dma_start3A_281 = tpu.memref_slice %arg13[%dma_start3A_278] : memref<5x!tpu.dma_semaphore, #tpu.memory_space<semaphore_mem>> -> memref<1x!tpu.dma_semaphore, #tpu.memory_space<semaphore_mem>>
        %dma_start3A_282 = tpu.memref_squeeze %dma_start3A_281 : memref<1x!tpu.dma_semaphore, #tpu.memory_space<semaphore_mem>> -> memref<!tpu.dma_semaphore, #tpu.memory_space<semaphore_mem>>
        %dma_start3A_283 = arith.constant 0 : i32
        %dma_start3A_284 = tpu.memref_slice %arg2[%add3A_277, %dma_start3A_283] : memref<819200x128xf32, #tpu.memory_space<hbm>> -> memref<128x128xf32, #tpu.memory_space<hbm>>
        tpu.enqueue_dma source(%dma_start3A_284 : memref<128x128xf32, #tpu.memory_space<hbm>>) target(%arg8 : memref<128x128xf32, #tpu.memory_space<vmem>>) target_semaphore(%dma_start3A_282 : memref<!tpu.dma_semaphore, #tpu.memory_space<semaphore_mem>>)
      } else {
      }
      %mul3A_113 = arith.constant 5 : i32
      %mul3A_114 = arith.muli %scan3A_76, %mul3A_113 : i32
      %add3A_115 = arith.constant 1 : i32
      %add3A_116 = arith.addi %mul3A_114, %add3A_115 : i32
      %mul3A_117 = arith.constant 128 : i32
      %mul3A_118 = arith.muli %add3A_116, %mul3A_117 : i32
      %add3A_119 = arith.addi %mul3A_2, %mul3A_118 : i32
      %dma_wait3A_120 = arith.constant 1 : i32
      %dma_wait3A_121 = arith.constant 0 : i32
      %dma_wait3A_122 = tpu.memref_slice %arg2[%add3A_119, %dma_wait3A_121] : memref<819200x128xf32, #tpu.memory_space<hbm>> -> memref<128x128xf32, #tpu.memory_space<hbm>>
      %dma_wait3A_123 = tpu.memref_slice %arg13[%dma_wait3A_120] : memref<5x!tpu.dma_semaphore, #tpu.memory_space<semaphore_mem>> -> memref<1x!tpu.dma_semaphore, #tpu.memory_space<semaphore_mem>>
      %dma_wait3A_124 = tpu.memref_squeeze %dma_wait3A_123 : memref<1x!tpu.dma_semaphore, #tpu.memory_space<semaphore_mem>> -> memref<!tpu.dma_semaphore, #tpu.memory_space<semaphore_mem>>
      %dma_wait3A_125 = arith.constant 0 : i32
      %dma_wait3A_126 = tpu.memref_slice %arg2[%add3A_119, %dma_wait3A_125] : memref<819200x128xf32, #tpu.memory_space<hbm>> -> memref<128x128xf32, #tpu.memory_space<hbm>>
      tpu.wait_dma2 semaphore(%dma_wait3A_124 : memref<!tpu.dma_semaphore, #tpu.memory_space<semaphore_mem>>) src(%dma_wait3A_126 : memref<128x128xf32, #tpu.memory_space<hbm>>) dst(%arg7 : memref<128x128xf32, #tpu.memory_space<vmem>>)
      %dma_start3A_127 = arith.constant 1 : i32
      %dma_start3A_128 = arith.constant 0 : i32
      %dma_start3A_129 = tpu.memref_slice %arg11[%add3A_116, %dma_start3A_128] : memref<200x128xi32, #tpu.memory_space<vmem>> -> memref<1x128xi32, #tpu.memory_space<vmem>>
      %dma_start3A_130 = tpu.memref_squeeze %dma_start3A_129 : memref<1x128xi32, #tpu.memory_space<vmem>> -> memref<128xi32, #tpu.memory_space<vmem>>
      %dma_start3A_131 = arith.constant 0 : i32
      %dma_start3A_132 = arith.constant 0 : i32
      %dma_start3A_133 = tpu.memref_slice %arg12[%dma_start3A_131, %dma_start3A_132] : memref<512x128xf32, #tpu.memory_space<vmem_shared>> -> memref<512x128xf32, #tpu.memory_space<vmem_shared>>
      %dma_start3A_134 = tpu.memref_slice %arg14[%dma_start3A_127] : memref<5x!tpu.dma_semaphore, #tpu.memory_space<semaphore_mem>> -> memref<1x!tpu.dma_semaphore, #tpu.memory_space<semaphore_mem>>
      %dma_start3A_135 = tpu.memref_squeeze %dma_start3A_134 : memref<1x!tpu.dma_semaphore, #tpu.memory_space<semaphore_mem>> -> memref<!tpu.dma_semaphore, #tpu.memory_space<semaphore_mem>>
      tpu.enqueue_indirect_dma source(%dma_start3A_133 : memref<512x128xf32, #tpu.memory_space<vmem_shared>>) target(%arg7 : memref<128x128xf32, #tpu.memory_space<vmem>>) offsets(%dma_start3A_130 : memref<128xi32, #tpu.memory_space<vmem>>) semaphore(%dma_start3A_135 : memref<!tpu.dma_semaphore, #tpu.memory_space<semaphore_mem>>) {add = true}
      %ge3A_136 = arith.constant 1 : i32
      %ge3A_137 = arith.cmpi sge, %add3A_116, %ge3A_136 : i32
      %convert_element_type3A_138 = arith.extui %ge3A_137 : i1 to i32
      %cond3A_139 = arith.constant 0 : i32
      %cond3A_140 = arith.cmpi ne, %convert_element_type3A_138, %cond3A_139 : i32
      scf.if %cond3A_140 {
        %sub3A = arith.constant 1 : i32
        %sub3A_273 = arith.subi %add3A_116, %sub3A : i32
        %dma_wait3A_274 = arith.constant 0 : i32
        %dma_wait3A_275 = arith.constant 0 : i32
        %dma_wait3A_276 = tpu.memref_slice %arg11[%sub3A_273, %dma_wait3A_275] : memref<200x128xi32, #tpu.memory_space<vmem>> -> memref<1x128xi32, #tpu.memory_space<vmem>>
        %dma_wait3A_277 = tpu.memref_squeeze %dma_wait3A_276 : memref<1x128xi32, #tpu.memory_space<vmem>> -> memref<128xi32, #tpu.memory_space<vmem>>
        %dma_wait3A_278 = arith.constant 0 : i32
        %dma_wait3A_279 = arith.constant 0 : i32
        %dma_wait3A_280 = tpu.memref_slice %arg12[%dma_wait3A_278, %dma_wait3A_279] : memref<512x128xf32, #tpu.memory_space<vmem_shared>> -> memref<512x128xf32, #tpu.memory_space<vmem_shared>>
        %dma_wait3A_281 = tpu.memref_slice %arg14[%dma_wait3A_274] : memref<5x!tpu.dma_semaphore, #tpu.memory_space<semaphore_mem>> -> memref<1x!tpu.dma_semaphore, #tpu.memory_space<semaphore_mem>>
        %dma_wait3A_282 = tpu.memref_squeeze %dma_wait3A_281 : memref<1x!tpu.dma_semaphore, #tpu.memory_space<semaphore_mem>> -> memref<!tpu.dma_semaphore, #tpu.memory_space<semaphore_mem>>
        tpu.wait_indirect_dma semaphore(%dma_wait3A_282 : memref<!tpu.dma_semaphore, #tpu.memory_space<semaphore_mem>>) src(%dma_wait3A_280 : memref<512x128xf32, #tpu.memory_space<vmem_shared>>) dst(%arg6 : memref<128x128xf32, #tpu.memory_space<vmem>>)
        %sub3A_283 = arith.constant 1 : i32
        %sub3A_284 = arith.subi %add3A_116, %sub3A_283 : i32
        %mul3A_285 = arith.constant 128 : i32
        %mul3A_286 = arith.muli %sub3A_284, %mul3A_285 : i32
        %add3A_287 = arith.addi %mul3A_2, %mul3A_286 : i32
        %dma_start3A_288 = arith.constant 0 : i32
        %dma_start3A_289 = arith.constant 0 : i32
        %dma_start3A_290 = tpu.memref_slice %arg5[%add3A_287, %dma_start3A_289] : memref<819200x128xf32, #tpu.memory_space<hbm>> -> memref<128x128xf32, #tpu.memory_space<hbm>>
        %dma_start3A_291 = tpu.memref_slice %arg15[%dma_start3A_288] : memref<5x!tpu.dma_semaphore, #tpu.memory_space<semaphore_mem>> -> memref<1x!tpu.dma_semaphore, #tpu.memory_space<semaphore_mem>>
        %dma_start3A_292 = tpu.memref_squeeze %dma_start3A_291 : memref<1x!tpu.dma_semaphore, #tpu.memory_space<semaphore_mem>> -> memref<!tpu.dma_semaphore, #tpu.memory_space<semaphore_mem>>
        %dma_start3A_293 = arith.constant 0 : i32
        %dma_start3A_294 = tpu.memref_slice %arg5[%add3A_287, %dma_start3A_293] : memref<819200x128xf32, #tpu.memory_space<hbm>> -> memref<128x128xf32, #tpu.memory_space<hbm>>
        tpu.enqueue_dma source(%arg6 : memref<128x128xf32, #tpu.memory_space<vmem>>) target(%dma_start3A_294 : memref<128x128xf32, #tpu.memory_space<hbm>>) target_semaphore(%dma_start3A_292 : memref<!tpu.dma_semaphore, #tpu.memory_space<semaphore_mem>>)
      } else {
      }
      %ge3A_141 = arith.constant 3 : i32
      %ge3A_142 = arith.cmpi sge, %add3A_116, %ge3A_141 : i32
      %convert_element_type3A_143 = arith.extui %ge3A_142 : i1 to i32
      %cond3A_144 = arith.constant 0 : i32
      %cond3A_145 = arith.cmpi ne, %convert_element_type3A_143, %cond3A_144 : i32
      scf.if %cond3A_145 {
        %sub3A = arith.constant 3 : i32
        %sub3A_273 = arith.subi %add3A_116, %sub3A : i32
        %mul3A_274 = arith.constant 128 : i32
        %mul3A_275 = arith.muli %sub3A_273, %mul3A_274 : i32
        %add3A_276 = arith.addi %mul3A_2, %mul3A_275 : i32
        %dma_wait3A_277 = arith.constant 3 : i32
        %dma_wait3A_278 = arith.constant 0 : i32
        %dma_wait3A_279 = tpu.memref_slice %arg5[%add3A_276, %dma_wait3A_278] : memref<819200x128xf32, #tpu.memory_space<hbm>> -> memref<128x128xf32, #tpu.memory_space<hbm>>
        %dma_wait3A_280 = tpu.memref_slice %arg15[%dma_wait3A_277] : memref<5x!tpu.dma_semaphore, #tpu.memory_space<semaphore_mem>> -> memref<1x!tpu.dma_semaphore, #tpu.memory_space<semaphore_mem>>
        %dma_wait3A_281 = tpu.memref_squeeze %dma_wait3A_280 : memref<1x!tpu.dma_semaphore, #tpu.memory_space<semaphore_mem>> -> memref<!tpu.dma_semaphore, #tpu.memory_space<semaphore_mem>>
        %dma_wait3A_282 = arith.constant 0 : i32
        %dma_wait3A_283 = tpu.memref_slice %arg5[%add3A_276, %dma_wait3A_282] : memref<819200x128xf32, #tpu.memory_space<hbm>> -> memref<128x128xf32, #tpu.memory_space<hbm>>
        tpu.wait_dma2 semaphore(%dma_wait3A_281 : memref<!tpu.dma_semaphore, #tpu.memory_space<semaphore_mem>>) src(%arg9 : memref<128x128xf32, #tpu.memory_space<vmem>>) dst(%dma_wait3A_283 : memref<128x128xf32, #tpu.memory_space<hbm>>)
      } else {
      }
      %add3A_146 = arith.constant 2 : i32
      %add3A_147 = arith.addi %add3A_116, %add3A_146 : i32
      %lt3A_148 = arith.constant 200 : i32
      %lt3A_149 = arith.cmpi slt, %add3A_147, %lt3A_148 : i32
      %convert_element_type3A_150 = arith.extui %lt3A_149 : i1 to i32
      %cond3A_151 = arith.constant 0 : i32
      %cond3A_152 = arith.cmpi ne, %convert_element_type3A_150, %cond3A_151 : i32
      scf.if %cond3A_152 {
        %add3A_273 = arith.constant 2 : i32
        %add3A_274 = arith.addi %add3A_116, %add3A_273 : i32
        %mul3A_275 = arith.constant 128 : i32
        %mul3A_276 = arith.muli %add3A_274, %mul3A_275 : i32
        %add3A_277 = arith.addi %mul3A_2, %mul3A_276 : i32
        %dma_start3A_278 = arith.constant 3 : i32
        %dma_start3A_279 = arith.constant 0 : i32
        %dma_start3A_280 = tpu.memref_slice %arg2[%add3A_277, %dma_start3A_279] : memref<819200x128xf32, #tpu.memory_space<hbm>> -> memref<128x128xf32, #tpu.memory_space<hbm>>
        %dma_start3A_281 = tpu.memref_slice %arg13[%dma_start3A_278] : memref<5x!tpu.dma_semaphore, #tpu.memory_space<semaphore_mem>> -> memref<1x!tpu.dma_semaphore, #tpu.memory_space<semaphore_mem>>
        %dma_start3A_282 = tpu.memref_squeeze %dma_start3A_281 : memref<1x!tpu.dma_semaphore, #tpu.memory_space<semaphore_mem>> -> memref<!tpu.dma_semaphore, #tpu.memory_space<semaphore_mem>>
        %dma_start3A_283 = arith.constant 0 : i32
        %dma_start3A_284 = tpu.memref_slice %arg2[%add3A_277, %dma_start3A_283] : memref<819200x128xf32, #tpu.memory_space<hbm>> -> memref<128x128xf32, #tpu.memory_space<hbm>>
        tpu.enqueue_dma source(%dma_start3A_284 : memref<128x128xf32, #tpu.memory_space<hbm>>) target(%arg9 : memref<128x128xf32, #tpu.memory_space<vmem>>) target_semaphore(%dma_start3A_282 : memref<!tpu.dma_semaphore, #tpu.memory_space<semaphore_mem>>)
      } else {
      }
      %mul3A_153 = arith.constant 5 : i32
      %mul3A_154 = arith.muli %scan3A_76, %mul3A_153 : i32
      %add3A_155 = arith.constant 2 : i32
      %add3A_156 = arith.addi %mul3A_154, %add3A_155 : i32
      %mul3A_157 = arith.constant 128 : i32
      %mul3A_158 = arith.muli %add3A_156, %mul3A_157 : i32
      %add3A_159 = arith.addi %mul3A_2, %mul3A_158 : i32
      %dma_wait3A_160 = arith.constant 2 : i32
      %dma_wait3A_161 = arith.constant 0 : i32
      %dma_wait3A_162 = tpu.memref_slice %arg2[%add3A_159, %dma_wait3A_161] : memref<819200x128xf32, #tpu.memory_space<hbm>> -> memref<128x128xf32, #tpu.memory_space<hbm>>
      %dma_wait3A_163 = tpu.memref_slice %arg13[%dma_wait3A_160] : memref<5x!tpu.dma_semaphore, #tpu.memory_space<semaphore_mem>> -> memref<1x!tpu.dma_semaphore, #tpu.memory_space<semaphore_mem>>
      %dma_wait3A_164 = tpu.memref_squeeze %dma_wait3A_163 : memref<1x!tpu.dma_semaphore, #tpu.memory_space<semaphore_mem>> -> memref<!tpu.dma_semaphore, #tpu.memory_space<semaphore_mem>>
      %dma_wait3A_165 = arith.constant 0 : i32
      %dma_wait3A_166 = tpu.memref_slice %arg2[%add3A_159, %dma_wait3A_165] : memref<819200x128xf32, #tpu.memory_space<hbm>> -> memref<128x128xf32, #tpu.memory_space<hbm>>
      tpu.wait_dma2 semaphore(%dma_wait3A_164 : memref<!tpu.dma_semaphore, #tpu.memory_space<semaphore_mem>>) src(%dma_wait3A_166 : memref<128x128xf32, #tpu.memory_space<hbm>>) dst(%arg8 : memref<128x128xf32, #tpu.memory_space<vmem>>)
      %dma_start3A_167 = arith.constant 2 : i32
      %dma_start3A_168 = arith.constant 0 : i32
      %dma_start3A_169 = tpu.memref_slice %arg11[%add3A_156, %dma_start3A_168] : memref<200x128xi32, #tpu.memory_space<vmem>> -> memref<1x128xi32, #tpu.memory_space<vmem>>
      %dma_start3A_170 = tpu.memref_squeeze %dma_start3A_169 : memref<1x128xi32, #tpu.memory_space<vmem>> -> memref<128xi32, #tpu.memory_space<vmem>>
      %dma_start3A_171 = arith.constant 0 : i32
      %dma_start3A_172 = arith.constant 0 : i32
      %dma_start3A_173 = tpu.memref_slice %arg12[%dma_start3A_171, %dma_start3A_172] : memref<512x128xf32, #tpu.memory_space<vmem_shared>> -> memref<512x128xf32, #tpu.memory_space<vmem_shared>>
      %dma_start3A_174 = tpu.memref_slice %arg14[%dma_start3A_167] : memref<5x!tpu.dma_semaphore, #tpu.memory_space<semaphore_mem>> -> memref<1x!tpu.dma_semaphore, #tpu.memory_space<semaphore_mem>>
      %dma_start3A_175 = tpu.memref_squeeze %dma_start3A_174 : memref<1x!tpu.dma_semaphore, #tpu.memory_space<semaphore_mem>> -> memref<!tpu.dma_semaphore, #tpu.memory_space<semaphore_mem>>
      tpu.enqueue_indirect_dma source(%dma_start3A_173 : memref<512x128xf32, #tpu.memory_space<vmem_shared>>) target(%arg8 : memref<128x128xf32, #tpu.memory_space<vmem>>) offsets(%dma_start3A_170 : memref<128xi32, #tpu.memory_space<vmem>>) semaphore(%dma_start3A_175 : memref<!tpu.dma_semaphore, #tpu.memory_space<semaphore_mem>>) {add = true}
      %ge3A_176 = arith.constant 1 : i32
      %ge3A_177 = arith.cmpi sge, %add3A_156, %ge3A_176 : i32
      %convert_element_type3A_178 = arith.extui %ge3A_177 : i1 to i32
      %cond3A_179 = arith.constant 0 : i32
      %cond3A_180 = arith.cmpi ne, %convert_element_type3A_178, %cond3A_179 : i32
      scf.if %cond3A_180 {
        %sub3A = arith.constant 1 : i32
        %sub3A_273 = arith.subi %add3A_156, %sub3A : i32
        %dma_wait3A_274 = arith.constant 1 : i32
        %dma_wait3A_275 = arith.constant 0 : i32
        %dma_wait3A_276 = tpu.memref_slice %arg11[%sub3A_273, %dma_wait3A_275] : memref<200x128xi32, #tpu.memory_space<vmem>> -> memref<1x128xi32, #tpu.memory_space<vmem>>
        %dma_wait3A_277 = tpu.memref_squeeze %dma_wait3A_276 : memref<1x128xi32, #tpu.memory_space<vmem>> -> memref<128xi32, #tpu.memory_space<vmem>>
        %dma_wait3A_278 = arith.constant 0 : i32
        %dma_wait3A_279 = arith.constant 0 : i32
        %dma_wait3A_280 = tpu.memref_slice %arg12[%dma_wait3A_278, %dma_wait3A_279] : memref<512x128xf32, #tpu.memory_space<vmem_shared>> -> memref<512x128xf32, #tpu.memory_space<vmem_shared>>
        %dma_wait3A_281 = tpu.memref_slice %arg14[%dma_wait3A_274] : memref<5x!tpu.dma_semaphore, #tpu.memory_space<semaphore_mem>> -> memref<1x!tpu.dma_semaphore, #tpu.memory_space<semaphore_mem>>
        %dma_wait3A_282 = tpu.memref_squeeze %dma_wait3A_281 : memref<1x!tpu.dma_semaphore, #tpu.memory_space<semaphore_mem>> -> memref<!tpu.dma_semaphore, #tpu.memory_space<semaphore_mem>>
        tpu.wait_indirect_dma semaphore(%dma_wait3A_282 : memref<!tpu.dma_semaphore, #tpu.memory_space<semaphore_mem>>) src(%dma_wait3A_280 : memref<512x128xf32, #tpu.memory_space<vmem_shared>>) dst(%arg7 : memref<128x128xf32, #tpu.memory_space<vmem>>)
        %sub3A_283 = arith.constant 1 : i32
        %sub3A_284 = arith.subi %add3A_156, %sub3A_283 : i32
        %mul3A_285 = arith.constant 128 : i32
        %mul3A_286 = arith.muli %sub3A_284, %mul3A_285 : i32
        %add3A_287 = arith.addi %mul3A_2, %mul3A_286 : i32
        %dma_start3A_288 = arith.constant 1 : i32
        %dma_start3A_289 = arith.constant 0 : i32
        %dma_start3A_290 = tpu.memref_slice %arg5[%add3A_287, %dma_start3A_289] : memref<819200x128xf32, #tpu.memory_space<hbm>> -> memref<128x128xf32, #tpu.memory_space<hbm>>
        %dma_start3A_291 = tpu.memref_slice %arg15[%dma_start3A_288] : memref<5x!tpu.dma_semaphore, #tpu.memory_space<semaphore_mem>> -> memref<1x!tpu.dma_semaphore, #tpu.memory_space<semaphore_mem>>
        %dma_start3A_292 = tpu.memref_squeeze %dma_start3A_291 : memref<1x!tpu.dma_semaphore, #tpu.memory_space<semaphore_mem>> -> memref<!tpu.dma_semaphore, #tpu.memory_space<semaphore_mem>>
        %dma_start3A_293 = arith.constant 0 : i32
        %dma_start3A_294 = tpu.memref_slice %arg5[%add3A_287, %dma_start3A_293] : memref<819200x128xf32, #tpu.memory_space<hbm>> -> memref<128x128xf32, #tpu.memory_space<hbm>>
        tpu.enqueue_dma source(%arg7 : memref<128x128xf32, #tpu.memory_space<vmem>>) target(%dma_start3A_294 : memref<128x128xf32, #tpu.memory_space<hbm>>) target_semaphore(%dma_start3A_292 : memref<!tpu.dma_semaphore, #tpu.memory_space<semaphore_mem>>)
      } else {
      }
      %ge3A_181 = arith.constant 3 : i32
      %ge3A_182 = arith.cmpi sge, %add3A_156, %ge3A_181 : i32
      %convert_element_type3A_183 = arith.extui %ge3A_182 : i1 to i32
      %cond3A_184 = arith.constant 0 : i32
      %cond3A_185 = arith.cmpi ne, %convert_element_type3A_183, %cond3A_184 : i32
      scf.if %cond3A_185 {
        %sub3A = arith.constant 3 : i32
        %sub3A_273 = arith.subi %add3A_156, %sub3A : i32
        %mul3A_274 = arith.constant 128 : i32
        %mul3A_275 = arith.muli %sub3A_273, %mul3A_274 : i32
        %add3A_276 = arith.addi %mul3A_2, %mul3A_275 : i32
        %dma_wait3A_277 = arith.constant 4 : i32
        %dma_wait3A_278 = arith.constant 0 : i32
        %dma_wait3A_279 = tpu.memref_slice %arg5[%add3A_276, %dma_wait3A_278] : memref<819200x128xf32, #tpu.memory_space<hbm>> -> memref<128x128xf32, #tpu.memory_space<hbm>>
        %dma_wait3A_280 = tpu.memref_slice %arg15[%dma_wait3A_277] : memref<5x!tpu.dma_semaphore, #tpu.memory_space<semaphore_mem>> -> memref<1x!tpu.dma_semaphore, #tpu.memory_space<semaphore_mem>>
        %dma_wait3A_281 = tpu.memref_squeeze %dma_wait3A_280 : memref<1x!tpu.dma_semaphore, #tpu.memory_space<semaphore_mem>> -> memref<!tpu.dma_semaphore, #tpu.memory_space<semaphore_mem>>
        %dma_wait3A_282 = arith.constant 0 : i32
        %dma_wait3A_283 = tpu.memref_slice %arg5[%add3A_276, %dma_wait3A_282] : memref<819200x128xf32, #tpu.memory_space<hbm>> -> memref<128x128xf32, #tpu.memory_space<hbm>>
        tpu.wait_dma2 semaphore(%dma_wait3A_281 : memref<!tpu.dma_semaphore, #tpu.memory_space<semaphore_mem>>) src(%arg10 : memref<128x128xf32, #tpu.memory_space<vmem>>) dst(%dma_wait3A_283 : memref<128x128xf32, #tpu.memory_space<hbm>>)
      } else {
      }
      %add3A_186 = arith.constant 2 : i32
      %add3A_187 = arith.addi %add3A_156, %add3A_186 : i32
      %lt3A_188 = arith.constant 200 : i32
      %lt3A_189 = arith.cmpi slt, %add3A_187, %lt3A_188 : i32
      %convert_element_type3A_190 = arith.extui %lt3A_189 : i1 to i32
      %cond3A_191 = arith.constant 0 : i32
      %cond3A_192 = arith.cmpi ne, %convert_element_type3A_190, %cond3A_191 : i32
      scf.if %cond3A_192 {
        %add3A_273 = arith.constant 2 : i32
        %add3A_274 = arith.addi %add3A_156, %add3A_273 : i32
        %mul3A_275 = arith.constant 128 : i32
        %mul3A_276 = arith.muli %add3A_274, %mul3A_275 : i32
        %add3A_277 = arith.addi %mul3A_2, %mul3A_276 : i32
        %dma_start3A_278 = arith.constant 4 : i32
        %dma_start3A_279 = arith.constant 0 : i32
        %dma_start3A_280 = tpu.memref_slice %arg2[%add3A_277, %dma_start3A_279] : memref<819200x128xf32, #tpu.memory_space<hbm>> -> memref<128x128xf32, #tpu.memory_space<hbm>>
        %dma_start3A_281 = tpu.memref_slice %arg13[%dma_start3A_278] : memref<5x!tpu.dma_semaphore, #tpu.memory_space<semaphore_mem>> -> memref<1x!tpu.dma_semaphore, #tpu.memory_space<semaphore_mem>>
        %dma_start3A_282 = tpu.memref_squeeze %dma_start3A_281 : memref<1x!tpu.dma_semaphore, #tpu.memory_space<semaphore_mem>> -> memref<!tpu.dma_semaphore, #tpu.memory_space<semaphore_mem>>
        %dma_start3A_283 = arith.constant 0 : i32
        %dma_start3A_284 = tpu.memref_slice %arg2[%add3A_277, %dma_start3A_283] : memref<819200x128xf32, #tpu.memory_space<hbm>> -> memref<128x128xf32, #tpu.memory_space<hbm>>
        tpu.enqueue_dma source(%dma_start3A_284 : memref<128x128xf32, #tpu.memory_space<hbm>>) target(%arg10 : memref<128x128xf32, #tpu.memory_space<vmem>>) target_semaphore(%dma_start3A_282 : memref<!tpu.dma_semaphore, #tpu.memory_space<semaphore_mem>>)
      } else {
      }
      %mul3A_193 = arith.constant 5 : i32
      %mul3A_194 = arith.muli %scan3A_76, %mul3A_193 : i32
      %add3A_195 = arith.constant 3 : i32
      %add3A_196 = arith.addi %mul3A_194, %add3A_195 : i32
      %mul3A_197 = arith.constant 128 : i32
      %mul3A_198 = arith.muli %add3A_196, %mul3A_197 : i32
      %add3A_199 = arith.addi %mul3A_2, %mul3A_198 : i32
      %dma_wait3A_200 = arith.constant 3 : i32
      %dma_wait3A_201 = arith.constant 0 : i32
      %dma_wait3A_202 = tpu.memref_slice %arg2[%add3A_199, %dma_wait3A_201] : memref<819200x128xf32, #tpu.memory_space<hbm>> -> memref<128x128xf32, #tpu.memory_space<hbm>>
      %dma_wait3A_203 = tpu.memref_slice %arg13[%dma_wait3A_200] : memref<5x!tpu.dma_semaphore, #tpu.memory_space<semaphore_mem>> -> memref<1x!tpu.dma_semaphore, #tpu.memory_space<semaphore_mem>>
      %dma_wait3A_204 = tpu.memref_squeeze %dma_wait3A_203 : memref<1x!tpu.dma_semaphore, #tpu.memory_space<semaphore_mem>> -> memref<!tpu.dma_semaphore, #tpu.memory_space<semaphore_mem>>
      %dma_wait3A_205 = arith.constant 0 : i32
      %dma_wait3A_206 = tpu.memref_slice %arg2[%add3A_199, %dma_wait3A_205] : memref<819200x128xf32, #tpu.memory_space<hbm>> -> memref<128x128xf32, #tpu.memory_space<hbm>>
      tpu.wait_dma2 semaphore(%dma_wait3A_204 : memref<!tpu.dma_semaphore, #tpu.memory_space<semaphore_mem>>) src(%dma_wait3A_206 : memref<128x128xf32, #tpu.memory_space<hbm>>) dst(%arg9 : memref<128x128xf32, #tpu.memory_space<vmem>>)
      %dma_start3A_207 = arith.constant 3 : i32
      %dma_start3A_208 = arith.constant 0 : i32
      %dma_start3A_209 = tpu.memref_slice %arg11[%add3A_196, %dma_start3A_208] : memref<200x128xi32, #tpu.memory_space<vmem>> -> memref<1x128xi32, #tpu.memory_space<vmem>>
      %dma_start3A_210 = tpu.memref_squeeze %dma_start3A_209 : memref<1x128xi32, #tpu.memory_space<vmem>> -> memref<128xi32, #tpu.memory_space<vmem>>
      %dma_start3A_211 = arith.constant 0 : i32
      %dma_start3A_212 = arith.constant 0 : i32
      %dma_start3A_213 = tpu.memref_slice %arg12[%dma_start3A_211, %dma_start3A_212] : memref<512x128xf32, #tpu.memory_space<vmem_shared>> -> memref<512x128xf32, #tpu.memory_space<vmem_shared>>
      %dma_start3A_214 = tpu.memref_slice %arg14[%dma_start3A_207] : memref<5x!tpu.dma_semaphore, #tpu.memory_space<semaphore_mem>> -> memref<1x!tpu.dma_semaphore, #tpu.memory_space<semaphore_mem>>
      %dma_start3A_215 = tpu.memref_squeeze %dma_start3A_214 : memref<1x!tpu.dma_semaphore, #tpu.memory_space<semaphore_mem>> -> memref<!tpu.dma_semaphore, #tpu.memory_space<semaphore_mem>>
      tpu.enqueue_indirect_dma source(%dma_start3A_213 : memref<512x128xf32, #tpu.memory_space<vmem_shared>>) target(%arg9 : memref<128x128xf32, #tpu.memory_space<vmem>>) offsets(%dma_start3A_210 : memref<128xi32, #tpu.memory_space<vmem>>) semaphore(%dma_start3A_215 : memref<!tpu.dma_semaphore, #tpu.memory_space<semaphore_mem>>) {add = true}
      %ge3A_216 = arith.constant 1 : i32
      %ge3A_217 = arith.cmpi sge, %add3A_196, %ge3A_216 : i32
      %convert_element_type3A_218 = arith.extui %ge3A_217 : i1 to i32
      %cond3A_219 = arith.constant 0 : i32
      %cond3A_220 = arith.cmpi ne, %convert_element_type3A_218, %cond3A_219 : i32
      scf.if %cond3A_220 {
        %sub3A = arith.constant 1 : i32
        %sub3A_273 = arith.subi %add3A_196, %sub3A : i32
        %dma_wait3A_274 = arith.constant 2 : i32
        %dma_wait3A_275 = arith.constant 0 : i32
        %dma_wait3A_276 = tpu.memref_slice %arg11[%sub3A_273, %dma_wait3A_275] : memref<200x128xi32, #tpu.memory_space<vmem>> -> memref<1x128xi32, #tpu.memory_space<vmem>>
        %dma_wait3A_277 = tpu.memref_squeeze %dma_wait3A_276 : memref<1x128xi32, #tpu.memory_space<vmem>> -> memref<128xi32, #tpu.memory_space<vmem>>
        %dma_wait3A_278 = arith.constant 0 : i32
        %dma_wait3A_279 = arith.constant 0 : i32
        %dma_wait3A_280 = tpu.memref_slice %arg12[%dma_wait3A_278, %dma_wait3A_279] : memref<512x128xf32, #tpu.memory_space<vmem_shared>> -> memref<512x128xf32, #tpu.memory_space<vmem_shared>>
        %dma_wait3A_281 = tpu.memref_slice %arg14[%dma_wait3A_274] : memref<5x!tpu.dma_semaphore, #tpu.memory_space<semaphore_mem>> -> memref<1x!tpu.dma_semaphore, #tpu.memory_space<semaphore_mem>>
        %dma_wait3A_282 = tpu.memref_squeeze %dma_wait3A_281 : memref<1x!tpu.dma_semaphore, #tpu.memory_space<semaphore_mem>> -> memref<!tpu.dma_semaphore, #tpu.memory_space<semaphore_mem>>
        tpu.wait_indirect_dma semaphore(%dma_wait3A_282 : memref<!tpu.dma_semaphore, #tpu.memory_space<semaphore_mem>>) src(%dma_wait3A_280 : memref<512x128xf32, #tpu.memory_space<vmem_shared>>) dst(%arg8 : memref<128x128xf32, #tpu.memory_space<vmem>>)
        %sub3A_283 = arith.constant 1 : i32
        %sub3A_284 = arith.subi %add3A_196, %sub3A_283 : i32
        %mul3A_285 = arith.constant 128 : i32
        %mul3A_286 = arith.muli %sub3A_284, %mul3A_285 : i32
        %add3A_287 = arith.addi %mul3A_2, %mul3A_286 : i32
        %dma_start3A_288 = arith.constant 2 : i32
        %dma_start3A_289 = arith.constant 0 : i32
        %dma_start3A_290 = tpu.memref_slice %arg5[%add3A_287, %dma_start3A_289] : memref<819200x128xf32, #tpu.memory_space<hbm>> -> memref<128x128xf32, #tpu.memory_space<hbm>>
        %dma_start3A_291 = tpu.memref_slice %arg15[%dma_start3A_288] : memref<5x!tpu.dma_semaphore, #tpu.memory_space<semaphore_mem>> -> memref<1x!tpu.dma_semaphore, #tpu.memory_space<semaphore_mem>>
        %dma_start3A_292 = tpu.memref_squeeze %dma_start3A_291 : memref<1x!tpu.dma_semaphore, #tpu.memory_space<semaphore_mem>> -> memref<!tpu.dma_semaphore, #tpu.memory_space<semaphore_mem>>
        %dma_start3A_293 = arith.constant 0 : i32
        %dma_start3A_294 = tpu.memref_slice %arg5[%add3A_287, %dma_start3A_293] : memref<819200x128xf32, #tpu.memory_space<hbm>> -> memref<128x128xf32, #tpu.memory_space<hbm>>
        tpu.enqueue_dma source(%arg8 : memref<128x128xf32, #tpu.memory_space<vmem>>) target(%dma_start3A_294 : memref<128x128xf32, #tpu.memory_space<hbm>>) target_semaphore(%dma_start3A_292 : memref<!tpu.dma_semaphore, #tpu.memory_space<semaphore_mem>>)
      } else {
      }
      %ge3A_221 = arith.constant 3 : i32
      %ge3A_222 = arith.cmpi sge, %add3A_196, %ge3A_221 : i32
      %convert_element_type3A_223 = arith.extui %ge3A_222 : i1 to i32
      %cond3A_224 = arith.constant 0 : i32
      %cond3A_225 = arith.cmpi ne, %convert_element_type3A_223, %cond3A_224 : i32
      scf.if %cond3A_225 {
        %sub3A = arith.constant 3 : i32
        %sub3A_273 = arith.subi %add3A_196, %sub3A : i32
        %mul3A_274 = arith.constant 128 : i32
        %mul3A_275 = arith.muli %sub3A_273, %mul3A_274 : i32
        %add3A_276 = arith.addi %mul3A_2, %mul3A_275 : i32
        %dma_wait3A_277 = arith.constant 0 : i32
        %dma_wait3A_278 = arith.constant 0 : i32
        %dma_wait3A_279 = tpu.memref_slice %arg5[%add3A_276, %dma_wait3A_278] : memref<819200x128xf32, #tpu.memory_space<hbm>> -> memref<128x128xf32, #tpu.memory_space<hbm>>
        %dma_wait3A_280 = tpu.memref_slice %arg15[%dma_wait3A_277] : memref<5x!tpu.dma_semaphore, #tpu.memory_space<semaphore_mem>> -> memref<1x!tpu.dma_semaphore, #tpu.memory_space<semaphore_mem>>
        %dma_wait3A_281 = tpu.memref_squeeze %dma_wait3A_280 : memref<1x!tpu.dma_semaphore, #tpu.memory_space<semaphore_mem>> -> memref<!tpu.dma_semaphore, #tpu.memory_space<semaphore_mem>>
        %dma_wait3A_282 = arith.constant 0 : i32
        %dma_wait3A_283 = tpu.memref_slice %arg5[%add3A_276, %dma_wait3A_282] : memref<819200x128xf32, #tpu.memory_space<hbm>> -> memref<128x128xf32, #tpu.memory_space<hbm>>
        tpu.wait_dma2 semaphore(%dma_wait3A_281 : memref<!tpu.dma_semaphore, #tpu.memory_space<semaphore_mem>>) src(%arg6 : memref<128x128xf32, #tpu.memory_space<vmem>>) dst(%dma_wait3A_283 : memref<128x128xf32, #tpu.memory_space<hbm>>)
      } else {
      }
      %add3A_226 = arith.constant 2 : i32
      %add3A_227 = arith.addi %add3A_196, %add3A_226 : i32
      %lt3A_228 = arith.constant 200 : i32
      %lt3A_229 = arith.cmpi slt, %add3A_227, %lt3A_228 : i32
      %convert_element_type3A_230 = arith.extui %lt3A_229 : i1 to i32
      %cond3A_231 = arith.constant 0 : i32
      %cond3A_232 = arith.cmpi ne, %convert_element_type3A_230, %cond3A_231 : i32
      scf.if %cond3A_232 {
        %add3A_273 = arith.constant 2 : i32
        %add3A_274 = arith.addi %add3A_196, %add3A_273 : i32
        %mul3A_275 = arith.constant 128 : i32
        %mul3A_276 = arith.muli %add3A_274, %mul3A_275 : i32
        %add3A_277 = arith.addi %mul3A_2, %mul3A_276 : i32
        %dma_start3A_278 = arith.constant 0 : i32
        %dma_start3A_279 = arith.constant 0 : i32
        %dma_start3A_280 = tpu.memref_slice %arg2[%add3A_277, %dma_start3A_279] : memref<819200x128xf32, #tpu.memory_space<hbm>> -> memref<128x128xf32, #tpu.memory_space<hbm>>
        %dma_start3A_281 = tpu.memref_slice %arg13[%dma_start3A_278] : memref<5x!tpu.dma_semaphore, #tpu.memory_space<semaphore_mem>> -> memref<1x!tpu.dma_semaphore, #tpu.memory_space<semaphore_mem>>
        %dma_start3A_282 = tpu.memref_squeeze %dma_start3A_281 : memref<1x!tpu.dma_semaphore, #tpu.memory_space<semaphore_mem>> -> memref<!tpu.dma_semaphore, #tpu.memory_space<semaphore_mem>>
        %dma_start3A_283 = arith.constant 0 : i32
        %dma_start3A_284 = tpu.memref_slice %arg2[%add3A_277, %dma_start3A_283] : memref<819200x128xf32, #tpu.memory_space<hbm>> -> memref<128x128xf32, #tpu.memory_space<hbm>>
        tpu.enqueue_dma source(%dma_start3A_284 : memref<128x128xf32, #tpu.memory_space<hbm>>) target(%arg6 : memref<128x128xf32, #tpu.memory_space<vmem>>) target_semaphore(%dma_start3A_282 : memref<!tpu.dma_semaphore, #tpu.memory_space<semaphore_mem>>)
      } else {
      }
      %mul3A_233 = arith.constant 5 : i32
      %mul3A_234 = arith.muli %scan3A_76, %mul3A_233 : i32
      %add3A_235 = arith.constant 4 : i32
      %add3A_236 = arith.addi %mul3A_234, %add3A_235 : i32
      %mul3A_237 = arith.constant 128 : i32
      %mul3A_238 = arith.muli %add3A_236, %mul3A_237 : i32
      %add3A_239 = arith.addi %mul3A_2, %mul3A_238 : i32
      %dma_wait3A_240 = arith.constant 4 : i32
      %dma_wait3A_241 = arith.constant 0 : i32
      %dma_wait3A_242 = tpu.memref_slice %arg2[%add3A_239, %dma_wait3A_241] : memref<819200x128xf32, #tpu.memory_space<hbm>> -> memref<128x128xf32, #tpu.memory_space<hbm>>
      %dma_wait3A_243 = tpu.memref_slice %arg13[%dma_wait3A_240] : memref<5x!tpu.dma_semaphore, #tpu.memory_space<semaphore_mem>> -> memref<1x!tpu.dma_semaphore, #tpu.memory_space<semaphore_mem>>
      %dma_wait3A_244 = tpu.memref_squeeze %dma_wait3A_243 : memref<1x!tpu.dma_semaphore, #tpu.memory_space<semaphore_mem>> -> memref<!tpu.dma_semaphore, #tpu.memory_space<semaphore_mem>>
      %dma_wait3A_245 = arith.constant 0 : i32
      %dma_wait3A_246 = tpu.memref_slice %arg2[%add3A_239, %dma_wait3A_245] : memref<819200x128xf32, #tpu.memory_space<hbm>> -> memref<128x128xf32, #tpu.memory_space<hbm>>
      tpu.wait_dma2 semaphore(%dma_wait3A_244 : memref<!tpu.dma_semaphore, #tpu.memory_space<semaphore_mem>>) src(%dma_wait3A_246 : memref<128x128xf32, #tpu.memory_space<hbm>>) dst(%arg10 : memref<128x128xf32, #tpu.memory_space<vmem>>)
      %dma_start3A_247 = arith.constant 4 : i32
      %dma_start3A_248 = arith.constant 0 : i32
      %dma_start3A_249 = tpu.memref_slice %arg11[%add3A_236, %dma_start3A_248] : memref<200x128xi32, #tpu.memory_space<vmem>> -> memref<1x128xi32, #tpu.memory_space<vmem>>
      %dma_start3A_250 = tpu.memref_squeeze %dma_start3A_249 : memref<1x128xi32, #tpu.memory_space<vmem>> -> memref<128xi32, #tpu.memory_space<vmem>>
      %dma_start3A_251 = arith.constant 0 : i32
      %dma_start3A_252 = arith.constant 0 : i32
      %dma_start3A_253 = tpu.memref_slice %arg12[%dma_start3A_251, %dma_start3A_252] : memref<512x128xf32, #tpu.memory_space<vmem_shared>> -> memref<512x128xf32, #tpu.memory_space<vmem_shared>>
      %dma_start3A_254 = tpu.memref_slice %arg14[%dma_start3A_247] : memref<5x!tpu.dma_semaphore, #tpu.memory_space<semaphore_mem>> -> memref<1x!tpu.dma_semaphore, #tpu.memory_space<semaphore_mem>>
      %dma_start3A_255 = tpu.memref_squeeze %dma_start3A_254 : memref<1x!tpu.dma_semaphore, #tpu.memory_space<semaphore_mem>> -> memref<!tpu.dma_semaphore, #tpu.memory_space<semaphore_mem>>
      tpu.enqueue_indirect_dma source(%dma_start3A_253 : memref<512x128xf32, #tpu.memory_space<vmem_shared>>) target(%arg10 : memref<128x128xf32, #tpu.memory_space<vmem>>) offsets(%dma_start3A_250 : memref<128xi32, #tpu.memory_space<vmem>>) semaphore(%dma_start3A_255 : memref<!tpu.dma_semaphore, #tpu.memory_space<semaphore_mem>>) {add = true}
      %ge3A_256 = arith.constant 1 : i32
      %ge3A_257 = arith.cmpi sge, %add3A_236, %ge3A_256 : i32
      %convert_element_type3A_258 = arith.extui %ge3A_257 : i1 to i32
      %cond3A_259 = arith.constant 0 : i32
      %cond3A_260 = arith.cmpi ne, %convert_element_type3A_258, %cond3A_259 : i32
      scf.if %cond3A_260 {
        %sub3A = arith.constant 1 : i32
        %sub3A_273 = arith.subi %add3A_236, %sub3A : i32
        %dma_wait3A_274 = arith.constant 3 : i32
        %dma_wait3A_275 = arith.constant 0 : i32
        %dma_wait3A_276 = tpu.memref_slice %arg11[%sub3A_273, %dma_wait3A_275] : memref<200x128xi32, #tpu.memory_space<vmem>> -> memref<1x128xi32, #tpu.memory_space<vmem>>
        %dma_wait3A_277 = tpu.memref_squeeze %dma_wait3A_276 : memref<1x128xi32, #tpu.memory_space<vmem>> -> memref<128xi32, #tpu.memory_space<vmem>>
        %dma_wait3A_278 = arith.constant 0 : i32
        %dma_wait3A_279 = arith.constant 0 : i32
        %dma_wait3A_280 = tpu.memref_slice %arg12[%dma_wait3A_278, %dma_wait3A_279] : memref<512x128xf32, #tpu.memory_space<vmem_shared>> -> memref<512x128xf32, #tpu.memory_space<vmem_shared>>
        %dma_wait3A_281 = tpu.memref_slice %arg14[%dma_wait3A_274] : memref<5x!tpu.dma_semaphore, #tpu.memory_space<semaphore_mem>> -> memref<1x!tpu.dma_semaphore, #tpu.memory_space<semaphore_mem>>
        %dma_wait3A_282 = tpu.memref_squeeze %dma_wait3A_281 : memref<1x!tpu.dma_semaphore, #tpu.memory_space<semaphore_mem>> -> memref<!tpu.dma_semaphore, #tpu.memory_space<semaphore_mem>>
        tpu.wait_indirect_dma semaphore(%dma_wait3A_282 : memref<!tpu.dma_semaphore, #tpu.memory_space<semaphore_mem>>) src(%dma_wait3A_280 : memref<512x128xf32, #tpu.memory_space<vmem_shared>>) dst(%arg9 : memref<128x128xf32, #tpu.memory_space<vmem>>)
        %sub3A_283 = arith.constant 1 : i32
        %sub3A_284 = arith.subi %add3A_236, %sub3A_283 : i32
        %mul3A_285 = arith.constant 128 : i32
        %mul3A_286 = arith.muli %sub3A_284, %mul3A_285 : i32
        %add3A_287 = arith.addi %mul3A_2, %mul3A_286 : i32
        %dma_start3A_288 = arith.constant 3 : i32
        %dma_start3A_289 = arith.constant 0 : i32
        %dma_start3A_290 = tpu.memref_slice %arg5[%add3A_287, %dma_start3A_289] : memref<819200x128xf32, #tpu.memory_space<hbm>> -> memref<128x128xf32, #tpu.memory_space<hbm>>
        %dma_start3A_291 = tpu.memref_slice %arg15[%dma_start3A_288] : memref<5x!tpu.dma_semaphore, #tpu.memory_space<semaphore_mem>> -> memref<1x!tpu.dma_semaphore, #tpu.memory_space<semaphore_mem>>
        %dma_start3A_292 = tpu.memref_squeeze %dma_start3A_291 : memref<1x!tpu.dma_semaphore, #tpu.memory_space<semaphore_mem>> -> memref<!tpu.dma_semaphore, #tpu.memory_space<semaphore_mem>>
        %dma_start3A_293 = arith.constant 0 : i32
        %dma_start3A_294 = tpu.memref_slice %arg5[%add3A_287, %dma_start3A_293] : memref<819200x128xf32, #tpu.memory_space<hbm>> -> memref<128x128xf32, #tpu.memory_space<hbm>>
        tpu.enqueue_dma source(%arg9 : memref<128x128xf32, #tpu.memory_space<vmem>>) target(%dma_start3A_294 : memref<128x128xf32, #tpu.memory_space<hbm>>) target_semaphore(%dma_start3A_292 : memref<!tpu.dma_semaphore, #tpu.memory_space<semaphore_mem>>)
      } else {
      }
      %ge3A_261 = arith.constant 3 : i32
      %ge3A_262 = arith.cmpi sge, %add3A_236, %ge3A_261 : i32
      %convert_element_type3A_263 = arith.extui %ge3A_262 : i1 to i32
      %cond3A_264 = arith.constant 0 : i32
      %cond3A_265 = arith.cmpi ne, %convert_element_type3A_263, %cond3A_264 : i32
      scf.if %cond3A_265 {
        %sub3A = arith.constant 3 : i32
        %sub3A_273 = arith.subi %add3A_236, %sub3A : i32
        %mul3A_274 = arith.constant 128 : i32
        %mul3A_275 = arith.muli %sub3A_273, %mul3A_274 : i32
        %add3A_276 = arith.addi %mul3A_2, %mul3A_275 : i32
        %dma_wait3A_277 = arith.constant 1 : i32
        %dma_wait3A_278 = arith.constant 0 : i32
        %dma_wait3A_279 = tpu.memref_slice %arg5[%add3A_276, %dma_wait3A_278] : memref<819200x128xf32, #tpu.memory_space<hbm>> -> memref<128x128xf32, #tpu.memory_space<hbm>>
        %dma_wait3A_280 = tpu.memref_slice %arg15[%dma_wait3A_277] : memref<5x!tpu.dma_semaphore, #tpu.memory_space<semaphore_mem>> -> memref<1x!tpu.dma_semaphore, #tpu.memory_space<semaphore_mem>>
        %dma_wait3A_281 = tpu.memref_squeeze %dma_wait3A_280 : memref<1x!tpu.dma_semaphore, #tpu.memory_space<semaphore_mem>> -> memref<!tpu.dma_semaphore, #tpu.memory_space<semaphore_mem>>
        %dma_wait3A_282 = arith.constant 0 : i32
        %dma_wait3A_283 = tpu.memref_slice %arg5[%add3A_276, %dma_wait3A_282] : memref<819200x128xf32, #tpu.memory_space<hbm>> -> memref<128x128xf32, #tpu.memory_space<hbm>>
        tpu.wait_dma2 semaphore(%dma_wait3A_281 : memref<!tpu.dma_semaphore, #tpu.memory_space<semaphore_mem>>) src(%arg7 : memref<128x128xf32, #tpu.memory_space<vmem>>) dst(%dma_wait3A_283 : memref<128x128xf32, #tpu.memory_space<hbm>>)
      } else {
      }
      %add3A_266 = arith.constant 2 : i32
      %add3A_267 = arith.addi %add3A_236, %add3A_266 : i32
      %lt3A_268 = arith.constant 200 : i32
      %lt3A_269 = arith.cmpi slt, %add3A_267, %lt3A_268 : i32
      %convert_element_type3A_270 = arith.extui %lt3A_269 : i1 to i32
      %cond3A_271 = arith.constant 0 : i32
      %cond3A_272 = arith.cmpi ne, %convert_element_type3A_270, %cond3A_271 : i32
      scf.if %cond3A_272 {
        %add3A_273 = arith.constant 2 : i32
        %add3A_274 = arith.addi %add3A_236, %add3A_273 : i32
        %mul3A_275 = arith.constant 128 : i32
        %mul3A_276 = arith.muli %add3A_274, %mul3A_275 : i32
        %add3A_277 = arith.addi %mul3A_2, %mul3A_276 : i32
        %dma_start3A_278 = arith.constant 1 : i32
        %dma_start3A_279 = arith.constant 0 : i32
        %dma_start3A_280 = tpu.memref_slice %arg2[%add3A_277, %dma_start3A_279] : memref<819200x128xf32, #tpu.memory_space<hbm>> -> memref<128x128xf32, #tpu.memory_space<hbm>>
        %dma_start3A_281 = tpu.memref_slice %arg13[%dma_start3A_278] : memref<5x!tpu.dma_semaphore, #tpu.memory_space<semaphore_mem>> -> memref<1x!tpu.dma_semaphore, #tpu.memory_space<semaphore_mem>>
        %dma_start3A_282 = tpu.memref_squeeze %dma_start3A_281 : memref<1x!tpu.dma_semaphore, #tpu.memory_space<semaphore_mem>> -> memref<!tpu.dma_semaphore, #tpu.memory_space<semaphore_mem>>
        %dma_start3A_283 = arith.constant 0 : i32
        %dma_start3A_284 = tpu.memref_slice %arg2[%add3A_277, %dma_start3A_283] : memref<819200x128xf32, #tpu.memory_space<hbm>> -> memref<128x128xf32, #tpu.memory_space<hbm>>
        tpu.enqueue_dma source(%dma_start3A_284 : memref<128x128xf32, #tpu.memory_space<hbm>>) target(%arg7 : memref<128x128xf32, #tpu.memory_space<vmem>>) target_semaphore(%dma_start3A_282 : memref<!tpu.dma_semaphore, #tpu.memory_space<semaphore_mem>>)
      } else {
      }
    }
    %scan3A_30 = arith.constant 40 : i32
    %dma_wait3A = arith.constant 199 : i32
    %dma_wait3A_31 = arith.constant 4 : i32
    %dma_wait3A_32 = arith.constant 0 : i32
    %dma_wait3A_33 = tpu.memref_slice %arg11[%dma_wait3A, %dma_wait3A_32] : memref<200x128xi32, #tpu.memory_space<vmem>> -> memref<1x128xi32, #tpu.memory_space<vmem>>
    %dma_wait3A_34 = tpu.memref_squeeze %dma_wait3A_33 : memref<1x128xi32, #tpu.memory_space<vmem>> -> memref<128xi32, #tpu.memory_space<vmem>>
    %dma_wait3A_35 = arith.constant 0 : i32
    %dma_wait3A_36 = arith.constant 0 : i32
    %dma_wait3A_37 = tpu.memref_slice %arg12[%dma_wait3A_35, %dma_wait3A_36] : memref<512x128xf32, #tpu.memory_space<vmem_shared>> -> memref<512x128xf32, #tpu.memory_space<vmem_shared>>
    %dma_wait3A_38 = tpu.memref_slice %arg14[%dma_wait3A_31] : memref<5x!tpu.dma_semaphore, #tpu.memory_space<semaphore_mem>> -> memref<1x!tpu.dma_semaphore, #tpu.memory_space<semaphore_mem>>
    %dma_wait3A_39 = tpu.memref_squeeze %dma_wait3A_38 : memref<1x!tpu.dma_semaphore, #tpu.memory_space<semaphore_mem>> -> memref<!tpu.dma_semaphore, #tpu.memory_space<semaphore_mem>>
    tpu.wait_indirect_dma semaphore(%dma_wait3A_39 : memref<!tpu.dma_semaphore, #tpu.memory_space<semaphore_mem>>) src(%dma_wait3A_37 : memref<512x128xf32, #tpu.memory_space<vmem_shared>>) dst(%arg10 : memref<128x128xf32, #tpu.memory_space<vmem>>)
    %add3A_40 = arith.constant 25472 : i32
    %add3A_41 = arith.addi %mul3A_2, %add3A_40 : i32
    %dma_start3A_42 = arith.constant 4 : i32
    %dma_start3A_43 = arith.constant 0 : i32
    %dma_start3A_44 = tpu.memref_slice %arg5[%add3A_41, %dma_start3A_43] : memref<819200x128xf32, #tpu.memory_space<hbm>> -> memref<128x128xf32, #tpu.memory_space<hbm>>
    %dma_start3A_45 = tpu.memref_slice %arg15[%dma_start3A_42] : memref<5x!tpu.dma_semaphore, #tpu.memory_space<semaphore_mem>> -> memref<1x!tpu.dma_semaphore, #tpu.memory_space<semaphore_mem>>
    %dma_start3A_46 = tpu.memref_squeeze %dma_start3A_45 : memref<1x!tpu.dma_semaphore, #tpu.memory_space<semaphore_mem>> -> memref<!tpu.dma_semaphore, #tpu.memory_space<semaphore_mem>>
    %dma_start3A_47 = arith.constant 0 : i32
    %dma_start3A_48 = tpu.memref_slice %arg5[%add3A_41, %dma_start3A_47] : memref<819200x128xf32, #tpu.memory_space<hbm>> -> memref<128x128xf32, #tpu.memory_space<hbm>>
    tpu.enqueue_dma source(%arg10 : memref<128x128xf32, #tpu.memory_space<vmem>>) target(%dma_start3A_48 : memref<128x128xf32, #tpu.memory_space<hbm>>) target_semaphore(%dma_start3A_46 : memref<!tpu.dma_semaphore, #tpu.memory_space<semaphore_mem>>)
    %add3A_49 = arith.constant 25216 : i32
    %add3A_50 = arith.addi %mul3A_2, %add3A_49 : i32
    %dma_wait3A_51 = arith.constant 2 : i32
    %dma_wait3A_52 = arith.constant 0 : i32
    %dma_wait3A_53 = tpu.memref_slice %arg5[%add3A_50, %dma_wait3A_52] : memref<819200x128xf32, #tpu.memory_space<hbm>> -> memref<128x128xf32, #tpu.memory_space<hbm>>
    %dma_wait3A_54 = tpu.memref_slice %arg15[%dma_wait3A_51] : memref<5x!tpu.dma_semaphore, #tpu.memory_space<semaphore_mem>> -> memref<1x!tpu.dma_semaphore, #tpu.memory_space<semaphore_mem>>
    %dma_wait3A_55 = tpu.memref_squeeze %dma_wait3A_54 : memref<1x!tpu.dma_semaphore, #tpu.memory_space<semaphore_mem>> -> memref<!tpu.dma_semaphore, #tpu.memory_space<semaphore_mem>>
    %dma_wait3A_56 = arith.constant 0 : i32
    %dma_wait3A_57 = tpu.memref_slice %arg5[%add3A_50, %dma_wait3A_56] : memref<819200x128xf32, #tpu.memory_space<hbm>> -> memref<128x128xf32, #tpu.memory_space<hbm>>
    tpu.wait_dma2 semaphore(%dma_wait3A_55 : memref<!tpu.dma_semaphore, #tpu.memory_space<semaphore_mem>>) src(%arg8 : memref<128x128xf32, #tpu.memory_space<vmem>>) dst(%dma_wait3A_57 : memref<128x128xf32, #tpu.memory_space<hbm>>)
    %add3A_58 = arith.constant 25344 : i32
    %add3A_59 = arith.addi %mul3A_2, %add3A_58 : i32
    %dma_wait3A_60 = arith.constant 3 : i32
    %dma_wait3A_61 = arith.constant 0 : i32
    %dma_wait3A_62 = tpu.memref_slice %arg5[%add3A_59, %dma_wait3A_61] : memref<819200x128xf32, #tpu.memory_space<hbm>> -> memref<128x128xf32, #tpu.memory_space<hbm>>
    %dma_wait3A_63 = tpu.memref_slice %arg15[%dma_wait3A_60] : memref<5x!tpu.dma_semaphore, #tpu.memory_space<semaphore_mem>> -> memref<1x!tpu.dma_semaphore, #tpu.memory_space<semaphore_mem>>
    %dma_wait3A_64 = tpu.memref_squeeze %dma_wait3A_63 : memref<1x!tpu.dma_semaphore, #tpu.memory_space<semaphore_mem>> -> memref<!tpu.dma_semaphore, #tpu.memory_space<semaphore_mem>>
    %dma_wait3A_65 = arith.constant 0 : i32
    %dma_wait3A_66 = tpu.memref_slice %arg5[%add3A_59, %dma_wait3A_65] : memref<819200x128xf32, #tpu.memory_space<hbm>> -> memref<128x128xf32, #tpu.memory_space<hbm>>
    tpu.wait_dma2 semaphore(%dma_wait3A_64 : memref<!tpu.dma_semaphore, #tpu.memory_space<semaphore_mem>>) src(%arg9 : memref<128x128xf32, #tpu.memory_space<vmem>>) dst(%dma_wait3A_66 : memref<128x128xf32, #tpu.memory_space<hbm>>)
    %add3A_67 = arith.constant 25472 : i32
    %add3A_68 = arith.addi %mul3A_2, %add3A_67 : i32
    %dma_wait3A_69 = arith.constant 4 : i32
    %dma_wait3A_70 = arith.constant 0 : i32
    %dma_wait3A_71 = tpu.memref_slice %arg5[%add3A_68, %dma_wait3A_70] : memref<819200x128xf32, #tpu.memory_space<hbm>> -> memref<128x128xf32, #tpu.memory_space<hbm>>
    %dma_wait3A_72 = tpu.memref_slice %arg15[%dma_wait3A_69] : memref<5x!tpu.dma_semaphore, #tpu.memory_space<semaphore_mem>> -> memref<1x!tpu.dma_semaphore, #tpu.memory_space<semaphore_mem>>
    %dma_wait3A_73 = tpu.memref_squeeze %dma_wait3A_72 : memref<1x!tpu.dma_semaphore, #tpu.memory_space<semaphore_mem>> -> memref<!tpu.dma_semaphore, #tpu.memory_space<semaphore_mem>>
    %dma_wait3A_74 = arith.constant 0 : i32
    %dma_wait3A_75 = tpu.memref_slice %arg5[%add3A_68, %dma_wait3A_74] : memref<819200x128xf32, #tpu.memory_space<hbm>> -> memref<128x128xf32, #tpu.memory_space<hbm>>
    tpu.wait_dma2 semaphore(%dma_wait3A_73 : memref<!tpu.dma_semaphore, #tpu.memory_space<semaphore_mem>>) src(%arg10 : memref<128x128xf32, #tpu.memory_space<vmem>>) dst(%dma_wait3A_75 : memref<128x128xf32, #tpu.memory_space<hbm>>)
    return
  }
}

</mosaic_0001>

<sc_bundles>
// kernel: kernel.3.cloned.1.call-start
scs
__scs_entry_jumppad:
0x0: {  	(pc) =	sbr.rel $0x88, $3  }
0x1: {  	(tag) =	ssettag $0x0;
	lr =	simm.s32 $0x1  }
0x2: {  	[smem:$0x3F9E] =	sst lr;
	_ =	strace $0xD0000000  }
0x3: {  	_ = 	snop  }
0x4: {  	_ = 	snop  }
0x5: {  	_ = 	snop  }
0x6: {  	_ = 	snop  }
0x7: {  	_ = 	snop  }
__scs_overlays_trampoline_lowered:
0x8: {  	[smem:$0x3FAD] =	sst s0  }
0x9: {  	[smem:$0x3FAE] =	sst s1  }
0xa: {  	[smem:$0x3FAF] =	sst s2  }
0xb: {  	[smem:$0x3FB0] =	sst s3  }
0xc: {  	[smem:$0x3FB1] =	sst s4  }
0xd: {  	[smem:$0x3FB2] =	sst s5  }
0xe: {  	[smem:$0x3FB3] =	sst s6  }
0xf: {  	[smem:$0x3FB4] =	sst s7  }
0x10: {  	[smem:$0x3FB5] =	sst s8  }
0x11: {  	[smem:$0x3FB6] =	sst s9;
	s0 =	simm.s32 @!p0 $0x0  }
0x12: {  	s1 =	sld [smem:$0x3F9C];
	s0 =	simm.s32 @p0 $0x1  }
0x13: {  	[smem:$0x3FB7] =	sst s0;
	s0 =	simm.s32 @!p1 $0x0  }
0x14: {  	s2 =	sld [smem:$0x3F9B];
	s0 =	simm.s32 @p1 $0x1  }
0x15: {  	[smem:$0x3FB8] =	sst s0;
	s0 =	simm.s32 @!p2 $0x0  }
0x16: {  	s3 =	sld [smem:$0x3FDB];
	s0 =	simm.s32 @p2 $0x1  }
0x17: {  	s4 =	simm.s32 $0x1BF5;
	[smem:$0x3FBA] =	sst s0  }
0x18: {  	s0 =	sld [smem:$0x3F9D];
	_ =	swait.ge [sflag:s4], $0x0  }
0x19: {  	s7 =	sld [smem:$0x3F9E]  }
0x1a: {  	s8 =	sadd.s32 $0xFFFFE003, lr  }
0x1b: {  	s9 =	sadd.s32 $0xFFFFFEF7, lr;
	s5 =	simm.s32 $0xFFFFFFFF;
	p2 =	slt.u32 s8, $0xFFFFF086  }
0x1c: {  	p1 =	slt.u32 s9, $0xF7A;
	s5 =	simm.s32 @!p2 $0x0  }
0x1d: {  	s5 =	simm.s32 @p1 $0x1;
	p0 =	seq.s32 s7, s2  }
0x1e: {  	s7 =	smul.u32 @!p0 $0xF7A, s2;
	p2 =	seq.s32 @!p0 s5, $0x0  }
0x1f: {  	s9 =	smul.u32 $0xF7A, s1;
	s8 =	simm.s32 @!p0 $0x1BF5;
	p2 =	por !p2, p0  }
0x20: {  	[sflag:s8] =	ssyncset.s32 @!p0 $0xFFFFF086;
	s6 =	sadd.s32 @!p0 s3, s7;
	s7 =	simm.s32 @!p0 $0x108  }
0x21: {  	s3 =	sadd.s32 s3, s9;
	s6 =	sadd.s32 @!p0 $0x88, s6;
	s7 =	simm.s32 @p2 $0x1082  }
0x22: {  	[simem:s7], [sflag:s8] =	dma.local @!p0 [hbm:s6], $0xF7A  }
0x23: {  	s9 =	sor.u32 $0xD0000000, s2;
	s6 =	simm.s32 $0x108;
	_ =	swait.ge @!p0 [sflag:s8], $0x0  }
0x24: {  	s3 =	sadd.s32 $0x88, s3;
	s6 =	simm.s32 @!p1 $0x1082;
	[sflag:s4] =	ssyncset.s32 $0xFFFFF086  }
0x25: {  	[simem:s6], [sflag:s4] =	dma.local [hbm:s3], $0xF7A  }
0x26: {  	[smem:$0x3F9E] =	sst s1;
	(tag) =	ssettag s2;
	_ =	strace s9  }
0x27: {  	s1 =	sld [smem:$0x3FAE]  }
0x28: {  	s2 =	sld [smem:$0x3FAF]  }
0x29: {  	s4 =	sld [smem:$0x3FB1]  }
0x2a: {  	p0 =	seq.s32 s5, $0x0;
	s5 =	sld [smem:$0x3FB2]  }
0x2b: {  	s6 =	sld [smem:$0x3FB3]  }
0x2c: {  	s7 =	sld [smem:$0x3FB4]  }
0x2d: {  	s3 =	simm.s32 $0x108;
	s8 =	sld [smem:$0x3FB5]  }
0x2e: {  	s3 =	simm.s32 @!p0 $0x1082;
	s9 =	sld [smem:$0x3FB6]  }
0x2f: {  	lr =	sadd.s32 s0, s3;
	s0 =	sld [smem:$0x3FAD]  }
0x30: {  	s3 =	sld [smem:$0x3FB0]  }
0x31: {  	[smem:$0x3FB9] =	sst s10  }
0x32: {  	s10 =	sld [smem:$0x3FB7];
	_ =	sdelay $0x3  }
0x33: {  	p0 =	seq.s32 s10, $0x1;
	s10 =	sld [smem:$0x3FB9];
	_ =	sdelay $0x3  }
0x34: {  	[smem:$0x3FB9] =	sst s10  }
0x35: {  	s10 =	sld [smem:$0x3FB8];
	_ =	sdelay $0x3  }
0x36: {  	p1 =	seq.s32 s10, $0x1;
	s10 =	sld [smem:$0x3FB9];
	_ =	sdelay $0x3  }
0x37: {  	[smem:$0x3FB9] =	sst s10  }
0x38: {  	s10 =	sld [smem:$0x3FBA]  }
0x39: {  	_ = 	snop;
	(pc) =	sbr.ind lr, $3  }
0x3a: {  	_ = 	snop  }
0x3b: {  	_ = 	snop  }
0x3c: {  	p2 =	seq.s32 s10, $0x1;
	s10 =	sld [smem:$0x3FB9]  }
0x3d: {  	_ =	shalt  }
0x3e: {  	_ =	shalt  }
0x3f: {  	_ =	shalt  }
0x40: {  	_ =	shalt  }
0x41: {  	_ =	shalt  }
0x42: {  	_ =	shalt  }
0x43: {  	_ =	shalt  }
0x44: {  	_ =	shalt  }
0x45: {  	_ =	shalt  }
0x46: {  	_ =	shalt  }
0x47: {  	_ =	shalt  }
0x48: {  	_ =	shalt  }
0x49: {  	_ =	shalt  }
0x4a: {  	_ =	shalt  }
0x4b: {  	_ =	shalt  }
0x4c: {  	_ =	shalt  }
0x4d: {  	_ =	shalt  }
0x4e: {  	_ =	shalt  }
0x4f: {  	_ =	shalt  }
0x50: {  	_ =	shalt  }
0x51: {  	_ =	shalt  }
0x52: {  	_ =	shalt  }
0x53: {  	_ =	shalt  }
0x54: {  	_ =	shalt  }
0x55: {  	_ =	shalt  }
0x56: {  	_ =	shalt  }
0x57: {  	_ =	shalt  }
0x58: {  	_ =	shalt  }
0x59: {  	_ =	shalt  }
0x5a: {  	_ =	shalt  }
0x5b: {  	_ =	shalt  }
0x5c: {  	_ =	shalt  }
0x5d: {  	_ =	shalt  }
0x5e: {  	_ =	shalt  }
0x5f: {  	_ =	shalt  }
0x60: {  	_ =	shalt  }
0x61: {  	_ =	shalt  }
0x62: {  	_ =	shalt  }
0x63: {  	_ =	shalt  }
0x64: {  	_ =	shalt  }
0x65: {  	_ =	shalt  }
0x66: {  	_ =	shalt  }
0x67: {  	_ =	shalt  }
0x68: {  	_ =	shalt  }
0x69: {  	_ =	shalt  }
0x6a: {  	_ =	shalt  }
0x6b: {  	_ =	shalt  }
0x6c: {  	_ =	shalt  }
0x6d: {  	_ =	shalt  }
0x6e: {  	_ =	shalt  }
0x6f: {  	_ =	shalt  }
0x70: {  	_ =	shalt  }
0x71: {  	_ =	shalt  }
0x72: {  	_ =	shalt  }
0x73: {  	_ =	shalt  }
0x74: {  	_ =	shalt  }
0x75: {  	_ =	shalt  }
0x76: {  	_ =	shalt  }
0x77: {  	_ =	shalt  }
0x78: {  	_ =	shalt  }
0x79: {  	_ =	shalt  }
0x7a: {  	_ =	shalt  }
0x7b: {  	_ =	shalt  }
0x7c: {  	_ =	shalt  }
0x7d: {  	_ =	shalt  }
0x7e: {  	_ =	shalt  }
0x7f: {  	_ =	shalt  }
0x80: {  	_ =	shalt  }
0x81: {  	_ =	shalt  }
0x82: {  	_ =	shalt  }
0x83: {  	_ =	shalt  }
0x84: {  	_ =	shalt  }
0x85: {  	_ =	shalt  }
0x86: {  	_ =	shalt  }
0x87: {  	_ =	shalt  }
.Lfunc_end0:
.L_simem_size_0:
called_computation_lowered:
.L_overlay_start_0:
0x88: {  	s2 =	sld [smem:$0x3FD9]  }
0x89: {  	s3 =	sld [smem:$0x3FFE];
	_ =	sdelay $0x1  }
0x8a: {  	s1 =	srdreg.scid  }
0x8b: {  	s0 =	sand.u32 $0x1, s1  }
0x8c: {  	s17 =	sshll.u32 s0, $0xA;
	s2 =	sadd.s32 s3, s2  }
0x8d: {  	s2 =	sadd.s32 s2, s17  }
0x8e: {  	[smem:$0x3FC5] =	sst s2  }
0x8f: {  	_ = 	snop  }
0x90: {  	s2 =	sld [smem:$0x3FC9]  }
0x91: {  	s18 =	sld [smem:$0x3FD0];
	(tm) =	ssettm $0x1  }
0x92: {  	s4 =	sld [smem:$0x3FFB];
	_ =	sdelay $0x3  }
0x93: {  	_ =	strace s4  }
0x94: {  	s4 =	sld [smem:$0x3FFC];
	_ =	sdelay $0x3  }
0x95: {  	_ =	strace s4  }
0x96: {  	s4 =	sld [smem:$0x3FFD];
	_ =	sdelay $0x3  }
0x97: {  	_ =	strace s4  }
0x98: {  	_ =	strace $0x8FFFFFFF  }
0x99: {  	s19 =	sld [smem:$0x3FDB];
	_ =	sdelay $0x1  }
0x9a: {  	s5 =	simm.s32 $_scs_section_size  }
0x9b: {  	s6 =	simm.s32 $_size__tile_overlayer_lowered;
	s7 =	simm.s32 $_tile_overlayer_lowered  }
0x9c: {  	s22 =	simm.s32 $0x1BFF;
	s21 =	sshll.u32 s7, $0x1;
	s4 =	sadd.s32 s5, s19  }
0x9d: {  	s8 =	simm.s32 $0x0;
	s20 =	sshll.u32 s6, $0x1;
	s6 =	sadd.s32 s21, s4  }
0x9e: {  	[timem:s8], [sflag:s22] =	dma.local [hbm:s6], s20  }
0x9f: {  	_ =	swait.ge [sflag:s22], s20  }
0xa0: {  	s5 =	ssub.s32 $0x0, s20;
	[sflag:s22] =	ssyncset.done $0x0  }
0xa1: {  	[sflag:s22] =	ssyncadd.s32 s5;
	_ =	sdelay $0x1  }
0xa2: {  	s23 =	simm.s32 $0x1B8B  }
0xa3: {  	_ =	swait.ge [sflag:s23], $0x1  }
0xa4: {  	[sflag:s23] =	ssyncset.done $0x0  }
0xa5: {  	s25 =	simm.s32 $0x1B8E;
	s24 =	sld [smem:$0x3FFE];
	[sflag:s23] =	ssyncadd.s32 $0xFFFFFFFF  }
0xa6: {  	s26 =	simm.s32 $execute0_lowered;
	[smem:$0x3FD2] =	sst s25  }
0xa7: {  	s6 =	sshll.u32 s26, $0x1;
	_ =	strace $0x80000046;
	[dreg:$0x1] =	wrdreg $0xFFFFFFFF  }
0xa8: {  	s28 =	simm.s32 $_size_execute0_lowered;
	s4 =	sadd.s32 s4, s6;
	[dreg:$0x0] =	wrdreg $0x0  }
0xa9: {  	s6 =	sshll.u32 s28, $0x1;
	[dreg:$0x2] =	wrdreg s4  }
0xaa: {  	[dreg:$0x3] =	wrdreg s6  }
0xab: {  	[dreg:$0x4] =	wrdreg $0xC0  }
0xac: {  	_ =	task [dreg:s8], $0x5FFFF  }
0xad: {  	[dreg:$0x1] =	wrdreg $0xFFFFFFFF  }
0xae: {  	[dreg:$0x0] =	wrdreg $0x60  }
0xaf: {  	[dreg:$0x2] =	wrdreg s2  }
0xb0: {  	[dreg:$0x3] =	wrdreg s24  }
0xb1: {  	[dreg:$0x4] =	wrdreg s18  }
0xb2: {  	[dreg:$0x5] =	wrdreg $0x1A4000  }
0xb3: {  	[dreg:$0x6] =	wrdreg $0x9  }
0xb4: {  	_ =	task.clear_ibuf [dreg:s8], $0x7FFFF;
	_ =	strace $0x90000046  }
0xb5: {  	s29 =	simm.s32 $0x9;
	_ =	strace $0x80000048  }
0xb6: {  	_ =	swait.ge [sflag:s29], $0x1  }
0xb7: {  	[sflag:s29] =	ssyncadd.s32 $0xFFFFFFFF  }
0xb8: {  	_ =	strace $0x90000048  }
0xb9: {  	_ =	sfence  }
0xba: {  	s30 =	sld [smem:$0x0];
	_ =	sdelay $0x2  }
0xbb: {  	s31 =	sshll.u32 s1, $0xD;
	s1 =	sshrl.u32 s1, $0x2  }
0xbc: {  	s3 =	sand.u32 $0x4000, s31;
	s1 =	sadd.s32 s1, s30  }
0xbd: {  	s0 =	sor.u32 s3, s0;
	s1 =	sshll.u32 s1, $0x11  }
0xbe: {  	s0 =	sor.u32 s1, s0  }
0xbf: {  	s0 =	sadd.s32 $0x8F2B, s0  }
0xc0: {  	[sflag:s0] =	ssyncadd.remote.s32 $0x1  }
0xc1: {  	_ =	sfence.sel $0xFFFF  }
0xc2: {  	[dreg:$0x0] =	wrdreg $0xFFFFFFFF;
	(pc) =	sbr.abs _section_cstart, $3  }
0xc3: {  	[dreg:$0x1] =	wrdreg $0xFFFFFFFF  }
0xc4: {  	_ =	task.clear_ibuf [dreg:s8], $0x2FFFF;
	_ =	strace $0x9FFFFFFF  }
0xc5: {  	(tm) =	ssettm $0x7FFFFFFF  }
tec
execute0_lowered:
.L_overlay_start_1:
0x0: {  	(tag) =	ssettag $0x1  }
0x1: {  	s0 =	rddreg [dreg:$0x0]  }
0x2: {  	s1 =	rddreg [dreg:$0x1]  }
0x3: {  	s2 =	srdreg.scid;
	s12 =	stileid.u32  }
0x4: {  	s4 =	rddreg [dreg:$0x2];
	s28 =	simm.s32 $0x10000;
	s29 =	simm.s32 $0x4  }
0x5: {  	s30 =	simm.s32 $0x8;
	s31 =	simm.s32 $0xB;
	s14 =	smul.u32 $0x640000, s12  }
0x6: {  	s5 =	sand.u32 $0x1, s2;
	s3 =	sshll.u32 s12, $0x1;
	s21 =	smul.u32 $0xC8000, s12  }
0x7: {  	s2 =	rddreg [dreg:$0x3];
	s9 =	sshll.u32 s12, $0x9;
	s16 =	smul.u32 $0x320000, s5  }
0x8: {  	s6 =	sor.u32 s5, s3;
	s8 =	ssub.s32 $0x2, s5;
	s5 =	smul.u32 $0x64000, s5  }
0x9: {  	s13 =	sshll.u32 s12, $0xC;
	s3 =	simm.s32 $0x0;
	s7 =	smul.u32 $0xC80, s6  }
0xa: {  	[smem:$0x7FF] =	sst s3;
	s10 =	sshrl.u32 s8, $0x1;
	s11 =	smul.u32 $0x64000, s6  }
0xb: {  	s6 =	smul.u32 $0x320000, s6;
	_ =	strace $0x80000047;
	s8 =	ssub.s32 s8, s10  }
0xc: {  	s18 =	sadd.s32 s16, s14;
	s10 =	simm.s32 $0x0;
	s7 =	sadd.s32 s7, s1  }
0xd: {  	s1 =	sadd.s32 s9, s1;
	s15 =	sshrl.u32 s6, $0x3;
	s17 =	sadd.s32 s0, s11  }
0xe: {  	s19 =	smax.u32 s8, $0x1;
	s20 =	sor.u32 $0x18000, s18;
	s22 =	sor.u32 $0x14000, s18  }
0xf: {  	s24 =	sor.u32 $0x10000, s18;
	s25 =	sor.u32 $0xC000, s18;
	[dreg:$0x8] =	wrdreg s17  }
0x10: {  	s1 =	sadd.s32 $0x19600, s1;
	s7 =	sadd.s32 $0x600, s7;
	[dreg:$0xb] =	wrdreg s19  }
0x11: {  	s6 =	sshrl.u32 s20, $0x3;
	s23 =	sshrl.u32 s22, $0x3;
	s26 =	sshrl.u32 s25, $0x3  }
0x12: {  	s19 =	simm.s32 $0x1;
	s20 =	simm.s32 $0x80;
	s22 =	simm.s32 $0x2  }
0x13: {  	s25 =	simm.s32 $0x3;
	[dreg:$0x5] =	wrdreg s1;
	s1 =	sadd.s32 s13, s2  }
0x14: {  	[dreg:$0x7] =	wrdreg s7;
	s7 =	sadd.s32 $0x800, s17;
	s11 =	sadd.s32 s6, s0  }
0x15: {  	s12 =	sadd.s32 s23, s0;
	s17 =	simm.s32 $0x10;
	[dreg:$0x6] =	wrdreg s1  }
0x16: {  	s23 =	simm.s32 $0x6;
	s1 =	sadd.s32 s4, s15;
	[dreg:$0x9] =	wrdreg s7  }
0x17: {  	s4 =	sadd.s32 s21, s4;
	s15 =	sadd.s32 s26, s0;
	s21 =	simm.s32 $0x8000  }
.Ltmp0:
0x18: {  	s26 =	simm.s32 $0x7;
	s1 =	sadd.s32 $0x63800, s1;
	(pc) =	sbr.rel .LBB2_1-.Ltmp0, $4  }
0x19: {  	s13 =	sadd.s32 s5, s4;
	s4 =	sshrl.u32 s24, $0x3;
	s24 =	simm.s32 $0xC000  }
0x1a: {  	[dreg:$0xa] =	wrdreg s1;
	s1 =	sor.u32 $0x8000, s18;
	s14 =	sadd.s32 s4, s0  }
0x1b: {  	s18 =	simm.s32 $0x4000;
	s4 =	simm.s32 $0xC;
	s1 =	sshrl.u32 s1, $0x3  }
0x1c: {  	s16 =	sadd.s32 s1, s0;
	s1 =	simm.s32 $0x5;
	s0 =	simm.s32 $0x9  }
.LBB2_4:
0x1d: {  	s5 =	simm.s32 $0xA  }
0x1e: {  	_ =	swait.ge [sflag:s5], $0x4000  }
0x1f: {  	[sflag:s5] =	ssyncset.done $0x0  }
0x20: {  	s7 =	simm.s32 $0xD;
	s6 =	rddreg [dreg:$0xa];
	[sflag:s5] =	ssyncadd.s32 $0xFFFFC000  }
0x21: {  	[hbm4b:s6+s3] =	stream.linear.scatter [tilespmem:s28], [sflag:$0xF], $0x4000, $0x38;
	[tilespmem:$0x1B400] =	vst v63  }
0x22: {  	_ =	swait.ge [sflag:s7], $0x4000  }
0x23: {  	[sflag:s7] =	ssyncset.done $0x0  }
0x24: {  	s8 =	simm.s32 $0xE;
	[sflag:s7] =	ssyncadd.s32 $0xFFFFC000  }
0x25: {  	_ =	swait.ge [sflag:s8], $0x4000  }
0x26: {  	[sflag:s8] =	ssyncset.done $0x0  }
0x27: {  	s6 =	simm.s32 $0xF;
	[sflag:s8] =	ssyncadd.s32 $0xFFFFC000  }
0x28: {  	_ =	swait.ge [sflag:s6], $0x4000  }
0x29: {  	s10 =	sadd.s32 $0x1, s10;
	s9 =	rddreg [dreg:$0xb]  }
0x2a: {  	p0 =	sne.s32 s10, s9  }
.Ltmp1:
0x2b: {  	_ = 	snop;
	(pc) =	sbr.rel @!p0 .LBB2_5-.Ltmp1, $3  }
0x2c: {  	_ =	sdelay $0x1  }
0x2d: {  	[sflag:s6] =	ssyncset.done $0x0  }
0x2e: {  	[sflag:s6] =	ssyncadd.s32 $0xFFFFC000  }
.LBB2_1:
0x2f: {  	s5 =	rddreg [dreg:$0x5]  }
0x30: {  	[tilespmem:s3], [sflag:$0x10] =	stream.linear.gather [hbm4b:s5+s3], $0x1000, $0x38;
	[tilespmem:$0x1B400] =	vst v63  }
0x31: {  	_ =	swait.ge [sflag:s17], $0x1000  }
0x32: {  	[sflag:s17] =	ssyncset.done $0x0  }
0x33: {  	s9 =	rddreg [dreg:$0x6];
	[sflag:s17] =	ssyncadd.s32 $0xFFFFF000  }
0x34: {  	[spmem:s9] =	stream.linear.scatter [tilespmem:s3], [sflag:$0x10], $0x1000, $0x38;
	[tilespmem:$0x1B400] =	vst v63  }
0x35: {  	_ =	swait.ge [sflag:s17], $0x1000  }
0x36: {  	[sflag:s17] =	ssyncset.done $0x0  }
0x37: {  	[sflag:s17] =	ssyncadd.s32 $0xFFFFF000  }
0x38: {  	[bflag:$0x0] =	sbarrier.arrive $0xFFFF  }
0x39: {  	s7 =	simm.s32 $0x14000;
	s6 =	rddreg [dreg:$0x7]  }
0x3a: {  	[tilespmem:s7], [sflag:$0x10] =	stream.linear.gather [hbm4b:s6+s3], $0x6400, $0x38;
	[tilespmem:$0x1B400] =	vst v63  }
0x3b: {  	_ =	swait.ge [sflag:s17], $0x6400  }
0x3c: {  	[sflag:s17] =	ssyncset.done $0x0  }
0x3d: {  	s8 =	rddreg [dreg:$0x8];
	[sflag:s17] =	ssyncadd.s32 $0xFFFF9C00  }
0x3e: {  	[tilespmem:s3], [sflag:$0x1] =	stream.linear.gather [hbm4b:s8+s3], $0x4000, $0x38;
	[tilespmem:$0x1B400] =	vst v63  }
0x3f: {  	s5 =	simm.s32 $0x0;
	s9 =	rddreg [dreg:$0x9]  }
0x40: {  	[tilespmem:s18], [sflag:$0x2] =	stream.linear.gather [hbm4b:s9+s3], $0x4000, $0x38;
	[tilespmem:$0x1B400] =	vst v63  }
.LBB2_2:
0x41: {  	_ =	swait.ge [sflag:s19], $0x4000  }
0x42: {  	p0 =	seq.s32 s5, $0x0;
	[sflag:s19] =	ssyncset.done $0x0  }
0x43: {  	s6 =	simm.s32 @!p0 $0xA;
	[sflag:s19] =	ssyncadd.s32 $0xFFFFC000  }
0x44: {  	[tilespmem:s3], [sflag:$0x6] =	stream.indirect.gather.add.f32 [spmem:s2], $0x80, s7, s20, $0xb8;
	[tilespmem:$0x1B400] =	vst v63  }
0x45: {  	_ =	swait.ge @!p0 [sflag:s6], $0x4000  }
0x46: {  	[sflag:s6] =	ssyncset.done @!p0 $0x0  }
0x47: {  	[sflag:s6] =	ssyncadd.s32 @!p0 $0xFFFFC000;
	s6 =	sadd.s32 @!p0 s5, s13  }
0x48: {  	s8 =	simm.s32 @!p0 $0x0;
	s9 =	simm.s32 @!p0 $0x10000;
	s6 =	sadd.s32 @!p0 $0xFFFFF800, s6  }
0x49: {  	[hbm4b:s6+s8] =	stream.linear.scatter @!p0 [tilespmem:s9], [sflag:$0xF], $0x4000, $0x38;
	[tilespmem:$0x1B400] =	vst v63  }
0x4a: {  	s6 =	simm.s32 @!p0 $0xD  }
0x4b: {  	_ =	swait.ge @!p0 [sflag:s6], $0x4000  }
0x4c: {  	[sflag:s6] =	ssyncset.done @!p0 $0x0  }
0x4d: {  	s9 =	sadd.s32 s5, s16;
	[sflag:s6] =	ssyncadd.s32 @!p0 $0xFFFFC000  }
0x4e: {  	[tilespmem:s21], [sflag:$0x3] =	stream.linear.gather [hbm4b:s9+s3], $0x4000, $0x38;
	[tilespmem:$0x1B400] =	vst v63  }
0x4f: {  	_ =	swait.ge [sflag:s22], $0x4000  }
0x50: {  	[sflag:s22] =	ssyncset.done $0x0  }
0x51: {  	s8 =	sadd.s32 $0x80, s7;
	[sflag:s22] =	ssyncadd.s32 $0xFFFFC000  }
0x52: {  	[tilespmem:s18], [sflag:$0x7] =	stream.indirect.gather.add.f32 [spmem:s2], $0x80, s8, s20, $0xb8;
	[tilespmem:$0x1B400] =	vst v63  }
0x53: {  	_ =	swait.ge [sflag:s23], $0x4000  }
0x54: {  	[sflag:s23] =	ssyncset.done $0x0  }
0x55: {  	s6 =	sadd.s32 s5, s13;
	s8 =	simm.s32 @!p0 $0xE;
	[sflag:s23] =	ssyncadd.s32 $0xFFFFC000  }
0x56: {  	[hbm4b:s6+s3] =	stream.linear.scatter [tilespmem:s3], [sflag:$0xB], $0x4000, $0x38;
	[tilespmem:$0x1B400] =	vst v63  }
0x57: {  	_ =	swait.ge @!p0 [sflag:s8], $0x4000  }
0x58: {  	[sflag:s8] =	ssyncset.done @!p0 $0x0  }
0x59: {  	s9 =	sadd.s32 s5, s15;
	[sflag:s8] =	ssyncadd.s32 @!p0 $0xFFFFC000  }
0x5a: {  	[tilespmem:s24], [sflag:$0x4] =	stream.linear.gather [hbm4b:s9+s3], $0x4000, $0x38;
	[tilespmem:$0x1B400] =	vst v63  }
0x5b: {  	_ =	swait.ge [sflag:s25], $0x4000  }
0x5c: {  	[sflag:s25] =	ssyncset.done $0x0  }
0x5d: {  	s9 =	sadd.s32 $0x100, s7;
	[sflag:s25] =	ssyncadd.s32 $0xFFFFC000  }
0x5e: {  	[tilespmem:s21], [sflag:$0x8] =	stream.indirect.gather.add.f32 [spmem:s2], $0x80, s9, s20, $0xb8;
	[tilespmem:$0x1B400] =	vst v63  }
0x5f: {  	_ =	swait.ge [sflag:s26], $0x4000  }
0x60: {  	[sflag:s26] =	ssyncset.done $0x0  }
0x61: {  	s8 =	simm.s32 @!p0 $0xF;
	s9 =	sadd.s32 $0x800, s6;
	[sflag:s26] =	ssyncadd.s32 $0xFFFFC000  }
0x62: {  	[hbm4b:s9+s3] =	stream.linear.scatter [tilespmem:s18], [sflag:$0xC], $0x4000, $0x38;
	[tilespmem:$0x1B400] =	vst v63  }
0x63: {  	_ =	swait.ge @!p0 [sflag:s8], $0x4000  }
0x64: {  	[sflag:s8] =	ssyncset.done @!p0 $0x0  }
0x65: {  	s9 =	sadd.s32 s5, s14;
	[sflag:s8] =	ssyncadd.s32 @!p0 $0xFFFFC000  }
0x66: {  	[tilespmem:s28], [sflag:$0x5] =	stream.linear.gather [hbm4b:s9+s3], $0x4000, $0x38;
	[tilespmem:$0x1B400] =	vst v63  }
0x67: {  	_ =	swait.ge [sflag:s29], $0x4000  }
0x68: {  	[sflag:s29] =	ssyncset.done $0x0  }
0x69: {  	s9 =	sadd.s32 $0x180, s7;
	[sflag:s29] =	ssyncadd.s32 $0xFFFFC000  }
0x6a: {  	[tilespmem:s24], [sflag:$0x9] =	stream.indirect.gather.add.f32 [spmem:s2], $0x80, s9, s20, $0xb8;
	[tilespmem:$0x1B400] =	vst v63  }
0x6b: {  	_ =	swait.ge [sflag:s30], $0x4000  }
0x6c: {  	[sflag:s30] =	ssyncset.done $0x0  }
0x6d: {  	s9 =	sadd.s32 $0x1000, s6;
	[sflag:s30] =	ssyncadd.s32 $0xFFFFC000  }
0x6e: {  	[hbm4b:s9+s3] =	stream.linear.scatter [tilespmem:s21], [sflag:$0xD], $0x4000, $0x38;
	[tilespmem:$0x1B400] =	vst v63  }
0x6f: {  	_ =	swait.ge [sflag:s31], $0x4000  }
0x70: {  	p0 =	seq.s32 s5, $0x61800;
	[sflag:s31] =	ssyncset.done $0x0  }
0x71: {  	s8 =	sadd.s32 @!p0 s5, s12;
	s9 =	simm.s32 @!p0 $0x0;
	[sflag:s31] =	ssyncadd.s32 $0xFFFFC000  }
0x72: {  	[tilespmem:s9], [sflag:$0x1] =	stream.linear.gather @!p0 [hbm4b:s8+s9], $0x4000, $0x38;
	[tilespmem:$0x1B400] =	vst v63  }
0x73: {  	_ =	swait.ge [sflag:s1], $0x4000  }
0x74: {  	[sflag:s1] =	ssyncset.done $0x0  }
0x75: {  	s9 =	sadd.s32 $0x200, s7;
	[sflag:s1] =	ssyncadd.s32 $0xFFFFC000  }
0x76: {  	[tilespmem:s28], [sflag:$0xA] =	stream.indirect.gather.add.f32 [spmem:s2], $0x80, s9, s20, $0xb8;
	[tilespmem:$0x1B400] =	vst v63  }
0x77: {  	_ =	swait.ge [sflag:s0], $0x4000  }
0x78: {  	[sflag:s0] =	ssyncset.done $0x0  }
.Ltmp2:
0x79: {  	s6 =	sadd.s32 $0x1800, s6;
	[sflag:s0] =	ssyncadd.s32 $0xFFFFC000;
	(pc) =	sbr.rel @p0 .LBB2_4-.Ltmp2, $4  }
0x7a: {  	[hbm4b:s6+s3] =	stream.linear.scatter [tilespmem:s24], [sflag:$0xE], $0x4000, $0x38;
	[tilespmem:$0x1B400] =	vst v63  }
0x7b: {  	_ =	swait.ge [sflag:s4], $0x4000  }
0x7c: {  	[sflag:s4] =	ssyncset.done $0x0  }
0x7d: {  	[sflag:s4] =	ssyncadd.s32 $0xFFFFC000  }
.Ltmp3:
0x7e: {  	(pc) =	sbr.rel .LBB2_2-.Ltmp3, $3  }
0x7f: {  	_ =	sdelay $0x1  }
0x80: {  	s6 =	sadd.s32 s5, s11;
	s5 =	sadd.s32 $0x2800, s5;
	s7 =	sadd.s32 $0x280, s7  }
0x81: {  	[tilespmem:s18], [sflag:$0x2] =	stream.linear.gather [hbm4b:s6+s3], $0x4000, $0x38;
	[tilespmem:$0x1B400] =	vst v63  }
.LBB2_5:
0x82: {  	_ =	sfence.sel $0x180000  }
0x83: {  	[bflag:$0x0] =	sbarrier.arrive $0xFFFF  }
0x84: {  	_ =	strace $0x90000047  }
0x85: {  	s0 =	stileid.u32;
	[bflag:$0x2] =	sbarrier.arrive $0xFFFF  }
0x86: {  	p0 =	sne.s32 s0, $0x0;
	s0 =	rddreg [dreg:$0x4]  }
0x87: {  	s0 =	sadd.s32 @!p0 $0x100000, s0  }
0x88: {  	[sflag:s0] =	ssyncadd.tile.s32 @!p0 $0x1;
	_ =	shalt  }
.Lfunc_end2:
_tile_overlayer_lowered:
.L_overlay_start_2:
0x89: {  	(tag) =	ssettag $0x2  }
0x8a: {  	s0 =	rddreg [dreg:$0x0];
	s2 =	stileid.u32  }
0x8b: {  	s1 =	rddreg [dreg:$0x1];
	p0 =	sne.s32 s2, $0x0  }
0x8c: {  	s3 =	rddreg [dreg:$0x2];
	[bflag:$0x3] =	sbarrier.arrive $0xFFFF;
	s2 =	simm.s32 @!p0 $0x1C10  }
0x8d: {  	[timem:s3], [sflag:s2] =	dma.local @!p0 [hbm:s0], s1  }
0x8e: {  	s0 =	simm.s32 @!p0 $0x10  }
0x8f: {  	_ =	swait.ge @!p0 [sflag:s0], s1  }
0x90: {  	s1 =	ssub.s32 @!p0 $0x0, s1;
	[sflag:s0] =	ssyncset.done @!p0 $0x0  }
0x91: {  	[sflag:s0] =	ssyncadd.s32 @!p0 s1  }
0x92: {  	[bflag:$0x3] =	sbarrier.arrive $0xFFFF  }
0x93: {  	_ =	shalt  }

</sc_bundles>
